<compile_context>
chip_gen: v7x
topology: tpu7x:2x2x1
jax: 0.10.2.dev20260603
libtpu: 0.0.44.dev20260713+nightly
codegen_flags: <defaults>
</compile_context>

<pallas_src>
import functools

import numpy as np
import jax
import jax.numpy as jnp
from jax import lax
from jax.experimental import pallas as pl
from jax.experimental.pallas import tpu as pltpu
from jax.experimental.pallas import tpu_sc as plsc

_Z = 32
_NT = _Z * (_Z + 1) // 2
_NTH = _NT // 2
_B = 4096
_NE = 64
_NC = 1000


def _build_scatter_matrix():
    s = np.zeros((_NT, _Z * _Z), dtype=np.float32)
    t = 0
    for i in range(_Z):
        for j in range(i + 1):
            s[t, i * _Z + j] = 1.0
            t += 1
    return s


_SCATTER_NP = _build_scatter_matrix()


def _pack_halves(x):
    h = x.shape[1] // 2
    u = lax.bitcast_convert_type(x.astype(jnp.bfloat16),
                                 jnp.uint16).astype(jnp.uint32)
    return lax.bitcast_convert_type(u[:, :h] | (u[:, h:] << 16), jnp.float32)


def _unpack_halves(w):
    u = lax.bitcast_convert_type(w, jnp.uint32)
    lo = lax.bitcast_convert_type((u & 0xFFFF).astype(jnp.uint16),
                                  jnp.bfloat16)
    hi = lax.bitcast_convert_type((u >> 16).astype(jnp.uint16), jnp.bfloat16)
    return jnp.concatenate([lo, hi], axis=1)


def _tc_transpose_tables(cov_sp_t2d, mu_sp_t2d):

    def body(in_c_ref, in_m_ref, t0_ref, t1_ref, t2_ref):
        cov_w = _pack_halves(jnp.transpose(in_c_ref[...], (1, 0)))
        mu_w = _pack_halves(jnp.transpose(in_m_ref[...], (1, 0)))
        t0_ref[...] = cov_w[:, 0:128]
        t1_ref[...] = cov_w[:, 128:256]
        t2_ref[...] = jnp.concatenate(
            [cov_w[:, 256:_NTH], mu_w,
             jnp.zeros((_NC, 128 - (_NTH - 256) - _Z // 2), jnp.float32)],
            axis=1)

    return pl.pallas_call(
        body,
        grid=(_NE,),
        in_specs=[
            pl.BlockSpec((_NT, _NC), lambda e: (e, 0)),
            pl.BlockSpec((_Z, _NC), lambda e: (e, 0)),
        ],
        out_specs=[
            pl.BlockSpec((_NC, 128), lambda e: (e, 0)),
            pl.BlockSpec((_NC, 128), lambda e: (e, 0)),
            pl.BlockSpec((_NC, 128), lambda e: (e, 0)),
        ],
        out_shape=[
            jax.ShapeDtypeStruct((_NE * _NC, 128), jnp.float32),
            jax.ShapeDtypeStruct((_NE * _NC, 128), jnp.float32),
            jax.ShapeDtypeStruct((_NE * _NC, 128), jnp.float32),
        ],
    )(cov_sp_t2d, mu_sp_t2d)


def _sc_gather_rows(y_flat, e_flat, t0, t1, t2):
    info = plsc.get_sparse_core_info()
    num_cores, num_subcores = info.num_cores, info.num_subcores
    nw = num_cores * num_subcores
    bpw = _B // nw
    lanes = info.num_lanes

    mesh = plsc.VectorSubcoreMesh(core_axis_name="c", subcore_axis_name="s")

    @functools.partial(
        pl.kernel,
        out_type=(
            jax.ShapeDtypeStruct((_B, 128), jnp.float32),
            jax.ShapeDtypeStruct((_B, 128), jnp.float32),
            jax.ShapeDtypeStruct((_B, 128), jnp.float32),
        ),
        mesh=mesh,
        scratch_types=[
            pltpu.VMEM((bpw,), jnp.int32),
            pltpu.VMEM((bpw,), jnp.int32),
            pltpu.VMEM((bpw,), jnp.int32),
            pltpu.VMEM((bpw, 128), jnp.float32),
            pltpu.VMEM((bpw, 128), jnp.float32),
            pltpu.VMEM((bpw, 128), jnp.float32),
            pltpu.SemaphoreType.DMA,
            pltpu.SemaphoreType.DMA,
            pltpu.SemaphoreType.DMA,
        ],
        compiler_params=pltpu.CompilerParams(use_tc_tiling_on_sc=False),
    )
    def gather_kernel(y_hbm, e_hbm, t0_hbm, t1_hbm, t2_hbm,
                      o0_hbm, o1_hbm, o2_hbm,
                      y_v, e_v, idx_v, b0, b1, b2, s0, s1, s2):
        wid = lax.axis_index("s") * num_cores + lax.axis_index("c")
        base = wid * bpw
        pltpu.sync_copy(y_hbm.at[pl.ds(base, bpw)], y_v)
        pltpu.sync_copy(e_hbm.at[pl.ds(base, bpw)], e_v)
        for i in range(bpw // lanes):
            sl = pl.ds(i * lanes, lanes)
            idx_v[sl] = e_v[sl] * _NC + y_v[sl]
        c0 = pltpu.async_copy(t0_hbm.at[idx_v], b0, s0)
        c1 = pltpu.async_copy(t1_hbm.at[idx_v], b1, s1)
        c2 = pltpu.async_copy(t2_hbm.at[idx_v], b2, s2)
        c0.wait()
        c1.wait()
        c2.wait()
        pltpu.sync_copy(b0, o0_hbm.at[pl.ds(base, bpw)])
        pltpu.sync_copy(b1, o1_hbm.at[pl.ds(base, bpw)])
        pltpu.sync_copy(b2, o2_hbm.at[pl.ds(base, bpw)])

    return gather_kernel(y_flat, e_flat, t0, t1, t2)


def _tc_assemble(e_row, muc_t, cov_causal, r0, r1, r2, scatter,
                 interpret=False):
    bb = 256
    grid = _B // bb

    def body(e_ref, muct_ref, covc_ref, r0_ref, r1_ref, r2_ref, s_ref,
             mu_out_ref, cov_out_ref, cc_tab_ref):
        step = pl.program_id(0)

        @pl.when(step == 0)
        def _():
            lc = jnp.reshape(
                jnp.dot(covc_ref[...], s_ref[...],
                        preferred_element_type=jnp.float32),
                (_NE, _Z, _Z))
            cc = lax.dot_general(lc, lc, (((2,), (2,)), ((0,), (0,))),
                                 preferred_element_type=jnp.float32)
            cc_tab_ref[...] = jnp.transpose(
                jnp.reshape(cc, (_NE, _Z * _Z)), (1, 0))

        onehot_t = (lax.broadcast_in_dim(e_ref[...], (_NE, bb), (0, 1))
                    == lax.broadcasted_iota(jnp.int32, (_NE, bb), 0)
                    ).astype(jnp.float32)

        cov_w = jnp.concatenate(
            [r0_ref[...], r1_ref[...], r2_ref[:, 0:_NTH - 256]], axis=1)
        covs_rows = _unpack_halves(cov_w)
        mu_s = _unpack_halves(r2_ref[:, _NTH - 256:_NTH - 256 + _Z // 2])

        mu_out_ref[0:_Z, :] = jnp.dot(muct_ref[...], onehot_t,
                                      preferred_element_type=jnp.float32)
        mu_out_ref[_Z:2 * _Z, :] = jnp.transpose(
            mu_s.astype(jnp.float32), (1, 0))

        cov_c_t = jnp.dot(cc_tab_ref[...], onehot_t,
                          preferred_element_type=jnp.float32)
        ls = jnp.reshape(
            jnp.dot(covs_rows, s_ref[...].astype(jnp.bfloat16),
                    preferred_element_type=jnp.float32),
            (bb, _Z, _Z))
        cov_s = lax.dot_general(ls, ls, (((2,), (2,)), ((0,), (0,))),
                                preferred_element_type=jnp.float32)
        cov_s_t = jnp.transpose(jnp.reshape(cov_s, (bb, _Z * _Z)), (1, 0))
        zero = jnp.zeros((_Z, _Z, bb), jnp.float32)
        cov_out_ref[0:_Z, 0:_Z, :] = jnp.reshape(cov_c_t, (_Z, _Z, bb))
        cov_out_ref[0:_Z, _Z:2 * _Z, :] = zero
        cov_out_ref[_Z:2 * _Z, 0:_Z, :] = zero
        cov_out_ref[_Z:2 * _Z, _Z:2 * _Z, :] = jnp.reshape(cov_s_t,
                                                           (_Z, _Z, bb))

    return pl.pallas_call(
        body,
        grid=(grid,),
        in_specs=[
            pl.BlockSpec((1, bb), lambda i: (0, i)),
            pl.BlockSpec((_Z, _NE), lambda i: (0, 0)),
            pl.BlockSpec((_NE, _NT), lambda i: (0, 0)),
            pl.BlockSpec((bb, 128), lambda i: (i, 0)),
            pl.BlockSpec((bb, 128), lambda i: (i, 0)),
            pl.BlockSpec((bb, 128), lambda i: (i, 0)),
            pl.BlockSpec((_NT, _Z * _Z), lambda i: (0, 0)),
        ],
        out_specs=[
            pl.BlockSpec((2 * _Z, bb), lambda i: (0, i)),
            pl.BlockSpec((2 * _Z, 2 * _Z, bb), lambda i: (0, 0, i)),
        ],
        out_shape=[
            jax.ShapeDtypeStruct((2 * _Z, _B), jnp.float32),
            jax.ShapeDtypeStruct((2 * _Z, 2 * _Z, _B), jnp.float32),
        ],
        scratch_shapes=[pltpu.VMEM((_Z * _Z, _NE), jnp.float32)],
        interpret=interpret,
    )(e_row, muc_t, cov_causal, r0, r1, r2, scatter)


def kernel(y, e, mu_causal, cov_causal, mu_spurious, cov_spurious):
    y_flat = y.reshape(_B).astype(jnp.int32)
    e_flat = e.reshape(_B).astype(jnp.int32)
    scatter = jnp.asarray(_SCATTER_NP)

    cov_sp_t = jnp.transpose(cov_spurious, (1, 2, 0)).reshape(_NE * _NT, _NC)
    mu_sp_t = jnp.transpose(mu_spurious, (1, 2, 0)).reshape(_NE * _Z, _NC)

    t0, t1, t2 = _tc_transpose_tables(cov_sp_t, mu_sp_t)
    r0, r1, r2 = _sc_gather_rows(y_flat, e_flat, t0, t1, t2)

    mu_t, cov_t = _tc_assemble(e_flat.reshape(1, _B), mu_causal.T, cov_causal,
                               r0, r1, r2, scatter)
    return (jnp.transpose(mu_t, (1, 0)), jnp.transpose(cov_t, (2, 0, 1)))

# --- scband reference (transcript-rebuilt; emitter-appended) ---
"""Pipeline reference for scband-prior-46626164965724 (READ-ONLY COPY).

The authoritative reference and input builder live on the scoring server;
editing this copy changes nothing except your own understanding.
"""

import jax, jax.numpy as jnp
import numpy as np

N_CLASSES = 1000
N_ENVS = 64
Z_SIZE = 32
N_TRIL = Z_SIZE * (Z_SIZE + 1) // 2
GAUSSIAN_INIT_SD = 0.1
BATCH = 4096


def arr_to_cov(arr):
    # arr: [B, N_TRIL] -> fill lower-triangular L, return L @ L^T
    b = arr.shape[0]
    rows, cols = jnp.tril_indices(Z_SIZE)
    L = jnp.zeros((b, Z_SIZE, Z_SIZE), dtype=arr.dtype).at[:, rows, cols].set(arr)
    return jnp.einsum('bij,bkj->bik', L, L)


def setup_inputs(seed: int = 0):
    key = jax.random.key(seed)
    k = jax.random.split(key, 6)
    y = jax.random.randint(k[0], (BATCH, 1), 0, N_CLASSES, dtype=jnp.int32)
    e = jax.random.randint(k[1], (BATCH, 1), 0, N_ENVS, dtype=jnp.int32)
    mu_causal = GAUSSIAN_INIT_SD * jax.random.normal(k[2], (N_ENVS, Z_SIZE), dtype=jnp.float32)
    cov_causal = GAUSSIAN_INIT_SD * jax.random.normal(k[3], (N_ENVS, N_TRIL), dtype=jnp.float32)
    mu_spurious = GAUSSIAN_INIT_SD * jax.random.normal(k[4], (N_CLASSES, N_ENVS, Z_SIZE), dtype=jnp.float32)
    cov_spurious = GAUSSIAN_INIT_SD * jax.random.normal(k[5], (N_CLASSES, N_ENVS, N_TRIL), dtype=jnp.float32)
    return {"y": y, "e": e, "mu_causal": mu_causal, "cov_causal": cov_causal, "mu_spurious": mu_spurious, "cov_spurious": cov_spurious}


def reference(y, e, mu_causal, cov_causal, mu_spurious, cov_spurious):
    y_idx = y[:, 0].astype(jnp.int32)
    e_idx = e[:, 0].astype(jnp.int32)
    mu_c = mu_causal[e_idx]
    mu_s = mu_spurious[y_idx, e_idx]
    mu = jnp.concatenate([mu_c, mu_s], axis=1)
    cov_c = arr_to_cov(cov_causal[e_idx])
    cov_s = arr_to_cov(cov_spurious[y_idx, e_idx])
    b = y_idx.shape[0]
    cov = jnp.zeros((b, 2 * Z_SIZE, 2 * Z_SIZE), dtype=jnp.float32)
    cov = cov.at[:, :Z_SIZE, :Z_SIZE].set(cov_c)
    cov = cov.at[:, Z_SIZE:, Z_SIZE:].set(cov_s)
    # The torch module wraps (mu, cov) in D.MultivariateNormal; we return the
    # distribution parameters, which is the actual tensor computation.
    return (mu, cov)

if __name__ == "__main__":
    import jax
    _d = setup_inputs()
    print(jax.jit(kernel)(*tuple(_d.values())))

</pallas_src>

<mosaic_0001>
#map = affine_map<(d0, d1) -> (0)>
#map1 = affine_map<(d0, d1) -> (0, 0)>
module attributes {stable_mosaic.version = 14 : i64} {
  func.func @gather_kernel(%arg0: i32, %arg1: i32, %arg2: memref<4096xi32, #tpu.memory_space<hbm>>, %arg3: memref<4096xi32, #tpu.memory_space<hbm>>, %arg4: memref<64000x128xf32, #tpu.memory_space<hbm>>, %arg5: memref<64000x128xf32, #tpu.memory_space<hbm>>, %arg6: memref<64000x128xf32, #tpu.memory_space<hbm>>, %arg7: memref<4096x128xf32, #tpu.memory_space<hbm>>, %arg8: memref<4096x128xf32, #tpu.memory_space<hbm>>, %arg9: memref<4096x128xf32, #tpu.memory_space<hbm>>, %arg10: memref<128xi32, #tpu.memory_space<vmem>>, %arg11: memref<128xi32, #tpu.memory_space<vmem>>, %arg12: memref<128xi32, #tpu.memory_space<vmem>>, %arg13: memref<128x128xf32, #tpu.memory_space<vmem>>, %arg14: memref<128x128xf32, #tpu.memory_space<vmem>>, %arg15: memref<128x128xf32, #tpu.memory_space<vmem>>, %arg16: memref<!tpu.dma_semaphore, #tpu.memory_space<semaphore_mem>>, %arg17: memref<!tpu.dma_semaphore, #tpu.memory_space<semaphore_mem>>, %arg18: memref<!tpu.dma_semaphore, #tpu.memory_space<semaphore_mem>>) attributes {dimension_semantics = [#tpu.dimension_semantics<core_parallel>, #tpu.dimension_semantics<subcore_parallel>], iteration_bounds = array<i64: 2, 16>, scalar_prefetch = 0 : i64, scratch_operands = 9 : i64, tpu.core_type = #tpu.core_type<sc_vector_subcore>, window_params = [{transform_indices = #map}, {transform_indices = #map}, {transform_indices = #map1}, {transform_indices = #map1}, {transform_indices = #map1}, {transform_indices = #map1}, {transform_indices = #map1}, {transform_indices = #map1}]} {
    %mul3A = arith.constant 2 : i32
    %mul3A_0 = arith.muli %arg1, %mul3A : i32
    %add3A = arith.addi %mul3A_0, %arg0 : i32
    %mul3A_1 = arith.constant 128 : i32
    %mul3A_2 = arith.muli %add3A, %mul3A_1 : i32
    "tpu.region"() ({
      %run_scoped3A = tpu.sem_alloc : memref<!tpu.dma_semaphore, #tpu.memory_space<semaphore_mem>>
      %dma_start3A_129 = tpu.memref_slice %arg2[%mul3A_2] : memref<4096xi32, #tpu.memory_space<hbm>> -> memref<128xi32, #tpu.memory_space<hbm>>
      %dma_start3A_130 = tpu.memref_slice %arg2[%mul3A_2] : memref<4096xi32, #tpu.memory_space<hbm>> -> memref<128xi32, #tpu.memory_space<hbm>>
      tpu.enqueue_dma source(%dma_start3A_130 : memref<128xi32, #tpu.memory_space<hbm>>) target(%arg10 : memref<128xi32, #tpu.memory_space<vmem>>) target_semaphore(%run_scoped3A : memref<!tpu.dma_semaphore, #tpu.memory_space<semaphore_mem>>)
      %dma_wait3A_131 = tpu.memref_slice %arg2[%mul3A_2] : memref<4096xi32, #tpu.memory_space<hbm>> -> memref<128xi32, #tpu.memory_space<hbm>>
      %dma_wait3A_132 = tpu.memref_slice %arg2[%mul3A_2] : memref<4096xi32, #tpu.memory_space<hbm>> -> memref<128xi32, #tpu.memory_space<hbm>>
      tpu.wait_dma2 semaphore(%run_scoped3A : memref<!tpu.dma_semaphore, #tpu.memory_space<semaphore_mem>>) src(%dma_wait3A_132 : memref<128xi32, #tpu.memory_space<hbm>>) dst(%arg10 : memref<128xi32, #tpu.memory_space<vmem>>)
      tpu.yield
    }) : () -> ()
    "tpu.region"() ({
      %run_scoped3A = tpu.sem_alloc : memref<!tpu.dma_semaphore, #tpu.memory_space<semaphore_mem>>
      %dma_start3A_129 = tpu.memref_slice %arg3[%mul3A_2] : memref<4096xi32, #tpu.memory_space<hbm>> -> memref<128xi32, #tpu.memory_space<hbm>>
      %dma_start3A_130 = tpu.memref_slice %arg3[%mul3A_2] : memref<4096xi32, #tpu.memory_space<hbm>> -> memref<128xi32, #tpu.memory_space<hbm>>
      tpu.enqueue_dma source(%dma_start3A_130 : memref<128xi32, #tpu.memory_space<hbm>>) target(%arg11 : memref<128xi32, #tpu.memory_space<vmem>>) target_semaphore(%run_scoped3A : memref<!tpu.dma_semaphore, #tpu.memory_space<semaphore_mem>>)
      %dma_wait3A_131 = tpu.memref_slice %arg3[%mul3A_2] : memref<4096xi32, #tpu.memory_space<hbm>> -> memref<128xi32, #tpu.memory_space<hbm>>
      %dma_wait3A_132 = tpu.memref_slice %arg3[%mul3A_2] : memref<4096xi32, #tpu.memory_space<hbm>> -> memref<128xi32, #tpu.memory_space<hbm>>
      tpu.wait_dma2 semaphore(%run_scoped3A : memref<!tpu.dma_semaphore, #tpu.memory_space<semaphore_mem>>) src(%dma_wait3A_132 : memref<128xi32, #tpu.memory_space<hbm>>) dst(%arg11 : memref<128xi32, #tpu.memory_space<vmem>>)
      tpu.yield
    }) : () -> ()
    %get3A = arith.constant 0 : index
    %get3A_3 = tpu.vector_load %arg11[%get3A] {strides = array<i32>} : memref<128xi32, #tpu.memory_space<vmem>>, vector<16xi32>,
    %get3A_4 = vector.shape_cast %get3A_3 : vector<16xi32> to vector<16xi32>
    %mul3A_5 = arith.constant 1000 : i32
    %mul3A_6 = vector.broadcast %mul3A_5 : i32 to vector<16xi32>
    %mul3A_7 = arith.muli %get3A_4, %mul3A_6 : vector<16xi32>
    %get3A_8 = arith.constant 0 : index
    %get3A_9 = tpu.vector_load %arg10[%get3A_8] {strides = array<i32>} : memref<128xi32, #tpu.memory_space<vmem>>, vector<16xi32>,
    %get3A_10 = vector.shape_cast %get3A_9 : vector<16xi32> to vector<16xi32>
    %add3A_11 = arith.addi %mul3A_7, %get3A_10 : vector<16xi32>
    %swap3A = arith.constant 0 : index
    %swap3A_12 = tpu.vector_load %arg12[%swap3A] {strides = array<i32>} : memref<128xi32, #tpu.memory_space<vmem>>, vector<16xi32>,
    %swap3A_13 = vector.shape_cast %swap3A_12 : vector<16xi32> to vector<16xi32>
    %swap3A_14 = vector.shape_cast %add3A_11 : vector<16xi32> to vector<16xi32>
    tpu.vector_store %arg12[%swap3A], %swap3A_14 {strides = array<i32>} : memref<128xi32, #tpu.memory_space<vmem>>, vector<16xi32>,
    %get3A_15 = arith.constant 16 : index
    %get3A_16 = tpu.vector_load %arg11[%get3A_15] {strides = array<i32>} : memref<128xi32, #tpu.memory_space<vmem>>, vector<16xi32>,
    %get3A_17 = vector.shape_cast %get3A_16 : vector<16xi32> to vector<16xi32>
    %mul3A_18 = arith.constant 1000 : i32
    %mul3A_19 = vector.broadcast %mul3A_18 : i32 to vector<16xi32>
    %mul3A_20 = arith.muli %get3A_17, %mul3A_19 : vector<16xi32>
    %get3A_21 = arith.constant 16 : index
    %get3A_22 = tpu.vector_load %arg10[%get3A_21] {strides = array<i32>} : memref<128xi32, #tpu.memory_space<vmem>>, vector<16xi32>,
    %get3A_23 = vector.shape_cast %get3A_22 : vector<16xi32> to vector<16xi32>
    %add3A_24 = arith.addi %mul3A_20, %get3A_23 : vector<16xi32>
    %swap3A_25 = arith.constant 16 : index
    %swap3A_26 = tpu.vector_load %arg12[%swap3A_25] {strides = array<i32>} : memref<128xi32, #tpu.memory_space<vmem>>, vector<16xi32>,
    %swap3A_27 = vector.shape_cast %swap3A_26 : vector<16xi32> to vector<16xi32>
    %swap3A_28 = vector.shape_cast %add3A_24 : vector<16xi32> to vector<16xi32>
    tpu.vector_store %arg12[%swap3A_25], %swap3A_28 {strides = array<i32>} : memref<128xi32, #tpu.memory_space<vmem>>, vector<16xi32>,
    %get3A_29 = arith.constant 32 : index
    %get3A_30 = tpu.vector_load %arg11[%get3A_29] {strides = array<i32>} : memref<128xi32, #tpu.memory_space<vmem>>, vector<16xi32>,
    %get3A_31 = vector.shape_cast %get3A_30 : vector<16xi32> to vector<16xi32>
    %mul3A_32 = arith.constant 1000 : i32
    %mul3A_33 = vector.broadcast %mul3A_32 : i32 to vector<16xi32>
    %mul3A_34 = arith.muli %get3A_31, %mul3A_33 : vector<16xi32>
    %get3A_35 = arith.constant 32 : index
    %get3A_36 = tpu.vector_load %arg10[%get3A_35] {strides = array<i32>} : memref<128xi32, #tpu.memory_space<vmem>>, vector<16xi32>,
    %get3A_37 = vector.shape_cast %get3A_36 : vector<16xi32> to vector<16xi32>
    %add3A_38 = arith.addi %mul3A_34, %get3A_37 : vector<16xi32>
    %swap3A_39 = arith.constant 32 : index
    %swap3A_40 = tpu.vector_load %arg12[%swap3A_39] {strides = array<i32>} : memref<128xi32, #tpu.memory_space<vmem>>, vector<16xi32>,
    %swap3A_41 = vector.shape_cast %swap3A_40 : vector<16xi32> to vector<16xi32>
    %swap3A_42 = vector.shape_cast %add3A_38 : vector<16xi32> to vector<16xi32>
    tpu.vector_store %arg12[%swap3A_39], %swap3A_42 {strides = array<i32>} : memref<128xi32, #tpu.memory_space<vmem>>, vector<16xi32>,
    %get3A_43 = arith.constant 48 : index
    %get3A_44 = tpu.vector_load %arg11[%get3A_43] {strides = array<i32>} : memref<128xi32, #tpu.memory_space<vmem>>, vector<16xi32>,
    %get3A_45 = vector.shape_cast %get3A_44 : vector<16xi32> to vector<16xi32>
    %mul3A_46 = arith.constant 1000 : i32
    %mul3A_47 = vector.broadcast %mul3A_46 : i32 to vector<16xi32>
    %mul3A_48 = arith.muli %get3A_45, %mul3A_47 : vector<16xi32>
    %get3A_49 = arith.constant 48 : index
    %get3A_50 = tpu.vector_load %arg10[%get3A_49] {strides = array<i32>} : memref<128xi32, #tpu.memory_space<vmem>>, vector<16xi32>,
    %get3A_51 = vector.shape_cast %get3A_50 : vector<16xi32> to vector<16xi32>
    %add3A_52 = arith.addi %mul3A_48, %get3A_51 : vector<16xi32>
    %swap3A_53 = arith.constant 48 : index
    %swap3A_54 = tpu.vector_load %arg12[%swap3A_53] {strides = array<i32>} : memref<128xi32, #tpu.memory_space<vmem>>, vector<16xi32>,
    %swap3A_55 = vector.shape_cast %swap3A_54 : vector<16xi32> to vector<16xi32>
    %swap3A_56 = vector.shape_cast %add3A_52 : vector<16xi32> to vector<16xi32>
    tpu.vector_store %arg12[%swap3A_53], %swap3A_56 {strides = array<i32>} : memref<128xi32, #tpu.memory_space<vmem>>, vector<16xi32>,
    %get3A_57 = arith.constant 64 : index
    %get3A_58 = tpu.vector_load %arg11[%get3A_57] {strides = array<i32>} : memref<128xi32, #tpu.memory_space<vmem>>, vector<16xi32>,
    %get3A_59 = vector.shape_cast %get3A_58 : vector<16xi32> to vector<16xi32>
    %mul3A_60 = arith.constant 1000 : i32
    %mul3A_61 = vector.broadcast %mul3A_60 : i32 to vector<16xi32>
    %mul3A_62 = arith.muli %get3A_59, %mul3A_61 : vector<16xi32>
    %get3A_63 = arith.constant 64 : index
    %get3A_64 = tpu.vector_load %arg10[%get3A_63] {strides = array<i32>} : memref<128xi32, #tpu.memory_space<vmem>>, vector<16xi32>,
    %get3A_65 = vector.shape_cast %get3A_64 : vector<16xi32> to vector<16xi32>
    %add3A_66 = arith.addi %mul3A_62, %get3A_65 : vector<16xi32>
    %swap3A_67 = arith.constant 64 : index
    %swap3A_68 = tpu.vector_load %arg12[%swap3A_67] {strides = array<i32>} : memref<128xi32, #tpu.memory_space<vmem>>, vector<16xi32>,
    %swap3A_69 = vector.shape_cast %swap3A_68 : vector<16xi32> to vector<16xi32>
    %swap3A_70 = vector.shape_cast %add3A_66 : vector<16xi32> to vector<16xi32>
    tpu.vector_store %arg12[%swap3A_67], %swap3A_70 {strides = array<i32>} : memref<128xi32, #tpu.memory_space<vmem>>, vector<16xi32>,
    %get3A_71 = arith.constant 80 : index
    %get3A_72 = tpu.vector_load %arg11[%get3A_71] {strides = array<i32>} : memref<128xi32, #tpu.memory_space<vmem>>, vector<16xi32>,
    %get3A_73 = vector.shape_cast %get3A_72 : vector<16xi32> to vector<16xi32>
    %mul3A_74 = arith.constant 1000 : i32
    %mul3A_75 = vector.broadcast %mul3A_74 : i32 to vector<16xi32>
    %mul3A_76 = arith.muli %get3A_73, %mul3A_75 : vector<16xi32>
    %get3A_77 = arith.constant 80 : index
    %get3A_78 = tpu.vector_load %arg10[%get3A_77] {strides = array<i32>} : memref<128xi32, #tpu.memory_space<vmem>>, vector<16xi32>,
    %get3A_79 = vector.shape_cast %get3A_78 : vector<16xi32> to vector<16xi32>
    %add3A_80 = arith.addi %mul3A_76, %get3A_79 : vector<16xi32>
    %swap3A_81 = arith.constant 80 : index
    %swap3A_82 = tpu.vector_load %arg12[%swap3A_81] {strides = array<i32>} : memref<128xi32, #tpu.memory_space<vmem>>, vector<16xi32>,
    %swap3A_83 = vector.shape_cast %swap3A_82 : vector<16xi32> to vector<16xi32>
    %swap3A_84 = vector.shape_cast %add3A_80 : vector<16xi32> to vector<16xi32>
    tpu.vector_store %arg12[%swap3A_81], %swap3A_84 {strides = array<i32>} : memref<128xi32, #tpu.memory_space<vmem>>, vector<16xi32>,
    %get3A_85 = arith.constant 96 : index
    %get3A_86 = tpu.vector_load %arg11[%get3A_85] {strides = array<i32>} : memref<128xi32, #tpu.memory_space<vmem>>, vector<16xi32>,
    %get3A_87 = vector.shape_cast %get3A_86 : vector<16xi32> to vector<16xi32>
    %mul3A_88 = arith.constant 1000 : i32
    %mul3A_89 = vector.broadcast %mul3A_88 : i32 to vector<16xi32>
    %mul3A_90 = arith.muli %get3A_87, %mul3A_89 : vector<16xi32>
    %get3A_91 = arith.constant 96 : index
    %get3A_92 = tpu.vector_load %arg10[%get3A_91] {strides = array<i32>} : memref<128xi32, #tpu.memory_space<vmem>>, vector<16xi32>,
    %get3A_93 = vector.shape_cast %get3A_92 : vector<16xi32> to vector<16xi32>
    %add3A_94 = arith.addi %mul3A_90, %get3A_93 : vector<16xi32>
    %swap3A_95 = arith.constant 96 : index
    %swap3A_96 = tpu.vector_load %arg12[%swap3A_95] {strides = array<i32>} : memref<128xi32, #tpu.memory_space<vmem>>, vector<16xi32>,
    %swap3A_97 = vector.shape_cast %swap3A_96 : vector<16xi32> to vector<16xi32>
    %swap3A_98 = vector.shape_cast %add3A_94 : vector<16xi32> to vector<16xi32>
    tpu.vector_store %arg12[%swap3A_95], %swap3A_98 {strides = array<i32>} : memref<128xi32, #tpu.memory_space<vmem>>, vector<16xi32>,
    %get3A_99 = arith.constant 112 : index
    %get3A_100 = tpu.vector_load %arg11[%get3A_99] {strides = array<i32>} : memref<128xi32, #tpu.memory_space<vmem>>, vector<16xi32>,
    %get3A_101 = vector.shape_cast %get3A_100 : vector<16xi32> to vector<16xi32>
    %mul3A_102 = arith.constant 1000 : i32
    %mul3A_103 = vector.broadcast %mul3A_102 : i32 to vector<16xi32>
    %mul3A_104 = arith.muli %get3A_101, %mul3A_103 : vector<16xi32>
    %get3A_105 = arith.constant 112 : index
    %get3A_106 = tpu.vector_load %arg10[%get3A_105] {strides = array<i32>} : memref<128xi32, #tpu.memory_space<vmem>>, vector<16xi32>,
    %get3A_107 = vector.shape_cast %get3A_106 : vector<16xi32> to vector<16xi32>
    %add3A_108 = arith.addi %mul3A_104, %get3A_107 : vector<16xi32>
    %swap3A_109 = arith.constant 112 : index
    %swap3A_110 = tpu.vector_load %arg12[%swap3A_109] {strides = array<i32>} : memref<128xi32, #tpu.memory_space<vmem>>, vector<16xi32>,
    %swap3A_111 = vector.shape_cast %swap3A_110 : vector<16xi32> to vector<16xi32>
    %swap3A_112 = vector.shape_cast %add3A_108 : vector<16xi32> to vector<16xi32>
    tpu.vector_store %arg12[%swap3A_109], %swap3A_112 {strides = array<i32>} : memref<128xi32, #tpu.memory_space<vmem>>, vector<16xi32>,
    %dma_start3A = arith.constant 0 : i32
    %dma_start3A_113 = arith.constant 0 : i32
    %dma_start3A_114 = tpu.memref_slice %arg4[%dma_start3A, %dma_start3A_113] : memref<64000x128xf32, #tpu.memory_space<hbm>> -> memref<64000x128xf32, #tpu.memory_space<hbm>>
    tpu.enqueue_indirect_dma source(%dma_start3A_114 : memref<64000x128xf32, #tpu.memory_space<hbm>>) target(%arg13 : memref<128x128xf32, #tpu.memory_space<vmem>>) offsets(%arg12 : memref<128xi32, #tpu.memory_space<vmem>>) semaphore(%arg16 : memref<!tpu.dma_semaphore, #tpu.memory_space<semaphore_mem>>)
    %dma_start3A_115 = arith.constant 0 : i32
    %dma_start3A_116 = arith.constant 0 : i32
    %dma_start3A_117 = tpu.memref_slice %arg5[%dma_start3A_115, %dma_start3A_116] : memref<64000x128xf32, #tpu.memory_space<hbm>> -> memref<64000x128xf32, #tpu.memory_space<hbm>>
    tpu.enqueue_indirect_dma source(%dma_start3A_117 : memref<64000x128xf32, #tpu.memory_space<hbm>>) target(%arg14 : memref<128x128xf32, #tpu.memory_space<vmem>>) offsets(%arg12 : memref<128xi32, #tpu.memory_space<vmem>>) semaphore(%arg17 : memref<!tpu.dma_semaphore, #tpu.memory_space<semaphore_mem>>)
    %dma_start3A_118 = arith.constant 0 : i32
    %dma_start3A_119 = arith.constant 0 : i32
    %dma_start3A_120 = tpu.memref_slice %arg6[%dma_start3A_118, %dma_start3A_119] : memref<64000x128xf32, #tpu.memory_space<hbm>> -> memref<64000x128xf32, #tpu.memory_space<hbm>>
    tpu.enqueue_indirect_dma source(%dma_start3A_120 : memref<64000x128xf32, #tpu.memory_space<hbm>>) target(%arg15 : memref<128x128xf32, #tpu.memory_space<vmem>>) offsets(%arg12 : memref<128xi32, #tpu.memory_space<vmem>>) semaphore(%arg18 : memref<!tpu.dma_semaphore, #tpu.memory_space<semaphore_mem>>)
    %dma_wait3A = arith.constant 0 : i32
    %dma_wait3A_121 = arith.constant 0 : i32
    %dma_wait3A_122 = tpu.memref_slice %arg4[%dma_wait3A, %dma_wait3A_121] : memref<64000x128xf32, #tpu.memory_space<hbm>> -> memref<64000x128xf32, #tpu.memory_space<hbm>>
    tpu.wait_indirect_dma semaphore(%arg16 : memref<!tpu.dma_semaphore, #tpu.memory_space<semaphore_mem>>) src(%dma_wait3A_122 : memref<64000x128xf32, #tpu.memory_space<hbm>>) dst(%arg13 : memref<128x128xf32, #tpu.memory_space<vmem>>)
    %dma_wait3A_123 = arith.constant 0 : i32
    %dma_wait3A_124 = arith.constant 0 : i32
    %dma_wait3A_125 = tpu.memref_slice %arg5[%dma_wait3A_123, %dma_wait3A_124] : memref<64000x128xf32, #tpu.memory_space<hbm>> -> memref<64000x128xf32, #tpu.memory_space<hbm>>
    tpu.wait_indirect_dma semaphore(%arg17 : memref<!tpu.dma_semaphore, #tpu.memory_space<semaphore_mem>>) src(%dma_wait3A_125 : memref<64000x128xf32, #tpu.memory_space<hbm>>) dst(%arg14 : memref<128x128xf32, #tpu.memory_space<vmem>>)
    %dma_wait3A_126 = arith.constant 0 : i32
    %dma_wait3A_127 = arith.constant 0 : i32
    %dma_wait3A_128 = tpu.memref_slice %arg6[%dma_wait3A_126, %dma_wait3A_127] : memref<64000x128xf32, #tpu.memory_space<hbm>> -> memref<64000x128xf32, #tpu.memory_space<hbm>>
    tpu.wait_indirect_dma semaphore(%arg18 : memref<!tpu.dma_semaphore, #tpu.memory_space<semaphore_mem>>) src(%dma_wait3A_128 : memref<64000x128xf32, #tpu.memory_space<hbm>>) dst(%arg15 : memref<128x128xf32, #tpu.memory_space<vmem>>)
    "tpu.region"() ({
      %run_scoped3A = tpu.sem_alloc : memref<!tpu.dma_semaphore, #tpu.memory_space<semaphore_mem>>
      %dma_start3A_129 = arith.constant 0 : i32
      %dma_start3A_130 = tpu.memref_slice %arg7[%mul3A_2, %dma_start3A_129] : memref<4096x128xf32, #tpu.memory_space<hbm>> -> memref<128x128xf32, #tpu.memory_space<hbm>>
      %dma_start3A_131 = arith.constant 0 : i32
      %dma_start3A_132 = tpu.memref_slice %arg7[%mul3A_2, %dma_start3A_131] : memref<4096x128xf32, #tpu.memory_space<hbm>> -> memref<128x128xf32, #tpu.memory_space<hbm>>
      tpu.enqueue_dma source(%arg13 : memref<128x128xf32, #tpu.memory_space<vmem>>) target(%dma_start3A_132 : memref<128x128xf32, #tpu.memory_space<hbm>>) target_semaphore(%run_scoped3A : memref<!tpu.dma_semaphore, #tpu.memory_space<semaphore_mem>>)
      %dma_wait3A_133 = arith.constant 0 : i32
      %dma_wait3A_134 = tpu.memref_slice %arg7[%mul3A_2, %dma_wait3A_133] : memref<4096x128xf32, #tpu.memory_space<hbm>> -> memref<128x128xf32, #tpu.memory_space<hbm>>
      %dma_wait3A_135 = arith.constant 0 : i32
      %dma_wait3A_136 = tpu.memref_slice %arg7[%mul3A_2, %dma_wait3A_135] : memref<4096x128xf32, #tpu.memory_space<hbm>> -> memref<128x128xf32, #tpu.memory_space<hbm>>
      tpu.wait_dma2 semaphore(%run_scoped3A : memref<!tpu.dma_semaphore, #tpu.memory_space<semaphore_mem>>) src(%arg13 : memref<128x128xf32, #tpu.memory_space<vmem>>) dst(%dma_wait3A_136 : memref<128x128xf32, #tpu.memory_space<hbm>>)
      tpu.yield
    }) : () -> ()
    "tpu.region"() ({
      %run_scoped3A = tpu.sem_alloc : memref<!tpu.dma_semaphore, #tpu.memory_space<semaphore_mem>>
      %dma_start3A_129 = arith.constant 0 : i32
      %dma_start3A_130 = tpu.memref_slice %arg8[%mul3A_2, %dma_start3A_129] : memref<4096x128xf32, #tpu.memory_space<hbm>> -> memref<128x128xf32, #tpu.memory_space<hbm>>
      %dma_start3A_131 = arith.constant 0 : i32
      %dma_start3A_132 = tpu.memref_slice %arg8[%mul3A_2, %dma_start3A_131] : memref<4096x128xf32, #tpu.memory_space<hbm>> -> memref<128x128xf32, #tpu.memory_space<hbm>>
      tpu.enqueue_dma source(%arg14 : memref<128x128xf32, #tpu.memory_space<vmem>>) target(%dma_start3A_132 : memref<128x128xf32, #tpu.memory_space<hbm>>) target_semaphore(%run_scoped3A : memref<!tpu.dma_semaphore, #tpu.memory_space<semaphore_mem>>)
      %dma_wait3A_133 = arith.constant 0 : i32
      %dma_wait3A_134 = tpu.memref_slice %arg8[%mul3A_2, %dma_wait3A_133] : memref<4096x128xf32, #tpu.memory_space<hbm>> -> memref<128x128xf32, #tpu.memory_space<hbm>>
      %dma_wait3A_135 = arith.constant 0 : i32
      %dma_wait3A_136 = tpu.memref_slice %arg8[%mul3A_2, %dma_wait3A_135] : memref<4096x128xf32, #tpu.memory_space<hbm>> -> memref<128x128xf32, #tpu.memory_space<hbm>>
      tpu.wait_dma2 semaphore(%run_scoped3A : memref<!tpu.dma_semaphore, #tpu.memory_space<semaphore_mem>>) src(%arg14 : memref<128x128xf32, #tpu.memory_space<vmem>>) dst(%dma_wait3A_136 : memref<128x128xf32, #tpu.memory_space<hbm>>)
      tpu.yield
    }) : () -> ()
    "tpu.region"() ({
      %run_scoped3A = tpu.sem_alloc : memref<!tpu.dma_semaphore, #tpu.memory_space<semaphore_mem>>
      %dma_start3A_129 = arith.constant 0 : i32
      %dma_start3A_130 = tpu.memref_slice %arg9[%mul3A_2, %dma_start3A_129] : memref<4096x128xf32, #tpu.memory_space<hbm>> -> memref<128x128xf32, #tpu.memory_space<hbm>>
      %dma_start3A_131 = arith.constant 0 : i32
      %dma_start3A_132 = tpu.memref_slice %arg9[%mul3A_2, %dma_start3A_131] : memref<4096x128xf32, #tpu.memory_space<hbm>> -> memref<128x128xf32, #tpu.memory_space<hbm>>
      tpu.enqueue_dma source(%arg15 : memref<128x128xf32, #tpu.memory_space<vmem>>) target(%dma_start3A_132 : memref<128x128xf32, #tpu.memory_space<hbm>>) target_semaphore(%run_scoped3A : memref<!tpu.dma_semaphore, #tpu.memory_space<semaphore_mem>>)
      %dma_wait3A_133 = arith.constant 0 : i32
      %dma_wait3A_134 = tpu.memref_slice %arg9[%mul3A_2, %dma_wait3A_133] : memref<4096x128xf32, #tpu.memory_space<hbm>> -> memref<128x128xf32, #tpu.memory_space<hbm>>
      %dma_wait3A_135 = arith.constant 0 : i32
      %dma_wait3A_136 = tpu.memref_slice %arg9[%mul3A_2, %dma_wait3A_135] : memref<4096x128xf32, #tpu.memory_space<hbm>> -> memref<128x128xf32, #tpu.memory_space<hbm>>
      tpu.wait_dma2 semaphore(%run_scoped3A : memref<!tpu.dma_semaphore, #tpu.memory_space<semaphore_mem>>) src(%arg15 : memref<128x128xf32, #tpu.memory_space<vmem>>) dst(%dma_wait3A_136 : memref<128x128xf32, #tpu.memory_space<hbm>>)
      tpu.yield
    }) : () -> ()
    return
  }
}

module attributes {stable_mosaic.version = 14 : i64} {
  func.func @body(%arg0: i32, %arg1: memref<528x1000xf32, #tpu.memory_space<vmem>>, %arg2: memref<32x1000xf32, #tpu.memory_space<vmem>>, %arg3: memref<1000x128xf32, #tpu.memory_space<vmem>>, %arg4: memref<1000x128xf32, #tpu.memory_space<vmem>>, %arg5: memref<1000x128xf32, #tpu.memory_space<vmem>>) attributes {dimension_semantics = [#tpu.dimension_semantics<arbitrary>], iteration_bounds = array<i64: 64>, scalar_prefetch = 0 : i64, scratch_operands = 0 : i64, tpu.core_type = #tpu.core_type<tc>, window_params = [{transform_indices = @transform_0, window_bounds = array<i64: 528, 1000>}, {transform_indices = @transform_1, window_bounds = array<i64: 32, 1000>}, {transform_indices = @transform_2, window_bounds = array<i64: 1000, 128>}, {transform_indices = @transform_3, window_bounds = array<i64: 1000, 128>}, {transform_indices = @transform_4, window_bounds = array<i64: 1000, 128>}]} {
    %get3A = arith.constant 0 : index
    %get3A_0 = arith.constant 0 : index
    %get3A_1 = vector.load %arg1[%get3A, %get3A_0] : memref<528x1000xf32, #tpu.memory_space<vmem>>, vector<528x1000xf32>
    %transpose3A = tpu.transpose %get3A_1, [1, 0] : vector<528x1000xf32> -> vector<1000x528xf32>
    %convert_element_type3A = arith.truncf %transpose3A : vector<1000x528xf32> to vector<1000x528xbf16>
    %bitcast_convert_type3A = tpu.bitcast %convert_element_type3A : vector<1000x528xbf16> -> vector<1000x528xi16>
    %convert_element_type3A_2 = arith.extui %bitcast_convert_type3A : vector<1000x528xi16> to vector<1000x528xi32>
    %slice3A = vector.extract_strided_slice %convert_element_type3A_2 {offsets = [0, 0], sizes = [1000, 264], strides = [1, 1]} : vector<1000x528xi32> to vector<1000x264xi32>
    %slice3A_3 = vector.extract_strided_slice %convert_element_type3A_2 {offsets = [0, 264], sizes = [1000, 264], strides = [1, 1]} : vector<1000x528xi32> to vector<1000x264xi32>
    %shift_left3A = arith.constant 16 : i32
    %shift_left3A_4 = vector.broadcast %shift_left3A : i32 to vector<1000x264xi32>
    %shift_left3A_5 = arith.shli %slice3A_3, %shift_left3A_4 : vector<1000x264xi32>
    %or3A = arith.ori %slice3A, %shift_left3A_5 : vector<1000x264xi32>
    %bitcast_convert_type3A_6 = tpu.bitcast %or3A : vector<1000x264xi32> -> vector<1000x264xf32>
    %get3A_7 = arith.constant 0 : index
    %get3A_8 = arith.constant 0 : index
    %get3A_9 = vector.load %arg2[%get3A_7, %get3A_8] : memref<32x1000xf32, #tpu.memory_space<vmem>>, vector<32x1000xf32>
    %transpose3A_10 = tpu.transpose %get3A_9, [1, 0] : vector<32x1000xf32> -> vector<1000x32xf32>
    %convert_element_type3A_11 = arith.truncf %transpose3A_10 : vector<1000x32xf32> to vector<1000x32xbf16>
    %bitcast_convert_type3A_12 = tpu.bitcast %convert_element_type3A_11 : vector<1000x32xbf16> -> vector<1000x32xi16>
    %convert_element_type3A_13 = arith.extui %bitcast_convert_type3A_12 : vector<1000x32xi16> to vector<1000x32xi32>
    %slice3A_14 = vector.extract_strided_slice %convert_element_type3A_13 {offsets = [0, 0], sizes = [1000, 16], strides = [1, 1]} : vector<1000x32xi32> to vector<1000x16xi32>
    %slice3A_15 = vector.extract_strided_slice %convert_element_type3A_13 {offsets = [0, 16], sizes = [1000, 16], strides = [1, 1]} : vector<1000x32xi32> to vector<1000x16xi32>
    %shift_left3A_16 = arith.constant 16 : i32
    %shift_left3A_17 = vector.broadcast %shift_left3A_16 : i32 to vector<1000x16xi32>
    %shift_left3A_18 = arith.shli %slice3A_15, %shift_left3A_17 : vector<1000x16xi32>
    %or3A_19 = arith.ori %slice3A_14, %shift_left3A_18 : vector<1000x16xi32>
    %bitcast_convert_type3A_20 = tpu.bitcast %or3A_19 : vector<1000x16xi32> -> vector<1000x16xf32>
    %slice3A_21 = vector.extract_strided_slice %bitcast_convert_type3A_6 {offsets = [0, 0], sizes = [1000, 128], strides = [1, 1]} : vector<1000x264xf32> to vector<1000x128xf32>
    %swap3A = arith.constant 0 : index
    %swap3A_22 = arith.constant 0 : index
    %swap3A_23 = vector.load %arg3[%swap3A, %swap3A_22] : memref<1000x128xf32, #tpu.memory_space<vmem>>, vector<1000x128xf32>
    tpu.vector_store %arg3[%swap3A, %swap3A_22], %slice3A_21 {strides = array<i32>} : memref<1000x128xf32, #tpu.memory_space<vmem>>, vector<1000x128xf32>,
    %slice3A_24 = vector.extract_strided_slice %bitcast_convert_type3A_6 {offsets = [0, 128], sizes = [1000, 128], strides = [1, 1]} : vector<1000x264xf32> to vector<1000x128xf32>
    %swap3A_25 = arith.constant 0 : index
    %swap3A_26 = arith.constant 0 : index
    %swap3A_27 = vector.load %arg4[%swap3A_25, %swap3A_26] : memref<1000x128xf32, #tpu.memory_space<vmem>>, vector<1000x128xf32>
    tpu.vector_store %arg4[%swap3A_25, %swap3A_26], %slice3A_24 {strides = array<i32>} : memref<1000x128xf32, #tpu.memory_space<vmem>>, vector<1000x128xf32>,
    %slice3A_28 = vector.extract_strided_slice %bitcast_convert_type3A_6 {offsets = [0, 256], sizes = [1000, 8], strides = [1, 1]} : vector<1000x264xf32> to vector<1000x8xf32>
    %broadcast_in_dim3A = arith.constant 0.000000e+00 : f32
    %broadcast_in_dim3A_29 = vector.broadcast %broadcast_in_dim3A : f32 to vector<1000x104xf32>
    %concatenate3A = tpu.concatenate %slice3A_28, %bitcast_convert_type3A_20, %broadcast_in_dim3A_29 in 1 : vector<1000x8xf32>, vector<1000x16xf32>, vector<1000x104xf32> -> vector<1000x128xf32>
    %swap3A_30 = arith.constant 0 : index
    %swap3A_31 = arith.constant 0 : index
    %swap3A_32 = vector.load %arg5[%swap3A_30, %swap3A_31] : memref<1000x128xf32, #tpu.memory_space<vmem>>, vector<1000x128xf32>
    tpu.vector_store %arg5[%swap3A_30, %swap3A_31], %concatenate3A {strides = array<i32>} : memref<1000x128xf32, #tpu.memory_space<vmem>>, vector<1000x128xf32>,
    return
  }
  func.func @transform_0(%arg0: i32) -> (i32, i32) {
    %c0_i32 = arith.constant 0 : i32
    %c0_i32_0 = arith.constant 0 : i32
    return %arg0, %c0_i32 : i32, i32
  }
  func.func @transform_1(%arg0: i32) -> (i32, i32) {
    %c0_i32 = arith.constant 0 : i32
    %c0_i32_0 = arith.constant 0 : i32
    return %arg0, %c0_i32 : i32, i32
  }
  func.func @transform_2(%arg0: i32) -> (i32, i32) {
    %c0_i32 = arith.constant 0 : i32
    %c0_i32_0 = arith.constant 0 : i32
    return %arg0, %c0_i32 : i32, i32
  }
  func.func @transform_3(%arg0: i32) -> (i32, i32) {
    %c0_i32 = arith.constant 0 : i32
    %c0_i32_0 = arith.constant 0 : i32
    return %arg0, %c0_i32 : i32, i32
  }
  func.func @transform_4(%arg0: i32) -> (i32, i32) {
    %c0_i32 = arith.constant 0 : i32
    %c0_i32_0 = arith.constant 0 : i32
    return %arg0, %c0_i32 : i32, i32
  }
}

module attributes {stable_mosaic.version = 14 : i64} {
  func.func @body(%arg0: i32, %arg1: memref<1x256xi32, #tpu.memory_space<vmem>>, %arg2: memref<32x64xf32, #tpu.memory_space<vmem>>, %arg3: memref<64x528xf32, #tpu.memory_space<vmem>>, %arg4: memref<256x128xf32, #tpu.memory_space<vmem>>, %arg5: memref<256x128xf32, #tpu.memory_space<vmem>>, %arg6: memref<256x128xf32, #tpu.memory_space<vmem>>, %arg7: memref<528x1024xf32, #tpu.memory_space<vmem>>, %arg8: memref<64x256xf32, #tpu.memory_space<vmem>>, %arg9: memref<64x64x256xf32, #tpu.memory_space<vmem>>, %arg10: memref<1024x64xf32, #tpu.memory_space<vmem>>) attributes {dimension_semantics = [#tpu.dimension_semantics<arbitrary>], iteration_bounds = array<i64: 16>, scalar_prefetch = 0 : i64, scratch_operands = 1 : i64, tpu.core_type = #tpu.core_type<tc>, window_params = [{transform_indices = @transform_0, window_bounds = array<i64: 1, 256>}, {pipeline_mode = #tpu.pipeline_mode<synchronous>, transform_indices = @transform_1, window_bounds = array<i64: 32, 64>}, {pipeline_mode = #tpu.pipeline_mode<synchronous>, transform_indices = @transform_2, window_bounds = array<i64: 64, 528>}, {transform_indices = @transform_3, window_bounds = array<i64: 256, 128>}, {transform_indices = @transform_4, window_bounds = array<i64: 256, 128>}, {transform_indices = @transform_5, window_bounds = array<i64: 256, 128>}, {pipeline_mode = #tpu.pipeline_mode<synchronous>, transform_indices = @transform_6, window_bounds = array<i64: 528, 1024>}, {transform_indices = @transform_7, window_bounds = array<i64: 64, 256>}, {transform_indices = @transform_8, window_bounds = array<i64: 64, 64, 256>}]} {
    %eq3A = arith.constant 0 : i32
    %eq3A_0 = arith.cmpi eq, %arg0, %eq3A : i32
    %convert_element_type3A = arith.extui %eq3A_0 : i1 to i32
    %cond3A = arith.constant 0 : i32
    %cond3A_1 = arith.cmpi ne, %convert_element_type3A, %cond3A : i32
    scf.if %cond3A_1 {
      %get3A_86 = arith.constant 0 : index
      %get3A_87 = arith.constant 0 : index
      %get3A_88 = vector.load %arg3[%get3A_86, %get3A_87] : memref<64x528xf32, #tpu.memory_space<vmem>>, vector<64x528xf32>
      %get3A_89 = arith.constant 0 : index
      %get3A_90 = arith.constant 0 : index
      %get3A_91 = vector.load %arg7[%get3A_89, %get3A_90] : memref<528x1024xf32, #tpu.memory_space<vmem>>, vector<528x1024xf32>
      %dot_general3A_92 = arith.constant dense<0.000000e+00> : vector<64x1024xf32>
      %dot_general3A_93 = tpu.matmul %get3A_88, %get3A_91, %dot_general3A_92 {dimension_numbers = #tpu.dot_dimension_numbers<[1], [0], [0], [1], [0, 0, 1, 1], [], []>, transpose_lhs_hint = false} : vector<64x528xf32>, vector<528x1024xf32>, vector<64x1024xf32> -> vector<64x1024xf32>
      %reshape3A_94 = vector.shape_cast %dot_general3A_93 : vector<64x1024xf32> to vector<64x32x32xf32>
      %dot_general3A_95 = arith.constant dense<0.000000e+00> : vector<64x32x32xf32>
      %dot_general3A_96 = tpu.matmul %reshape3A_94, %reshape3A_94, %dot_general3A_95 {dimension_numbers = #tpu.dot_dimension_numbers<[2], [2], [1], [1], [0, 0, 0, 1, 1, 1], [0], [0]>, transpose_lhs_hint = false} : vector<64x32x32xf32>, vector<64x32x32xf32>, vector<64x32x32xf32> -> vector<64x32x32xf32>
      %reshape3A_97 = vector.shape_cast %dot_general3A_96 : vector<64x32x32xf32> to vector<64x1024xf32>
      %transpose3A_98 = tpu.transpose %reshape3A_97, [1, 0] : vector<64x1024xf32> -> vector<1024x64xf32>
      %swap3A_99 = arith.constant 0 : index
      %swap3A_100 = arith.constant 0 : index
      %swap3A_101 = vector.load %arg10[%swap3A_99, %swap3A_100] : memref<1024x64xf32, #tpu.memory_space<vmem>>, vector<1024x64xf32>
      tpu.vector_store %arg10[%swap3A_99, %swap3A_100], %transpose3A_98 {strides = array<i32>} : memref<1024x64xf32, #tpu.memory_space<vmem>>, vector<1024x64xf32>,
    } else {
    }
    %get3A = arith.constant 0 : index
    %get3A_2 = arith.constant 0 : index
    %get3A_3 = vector.load %arg1[%get3A, %get3A_2] : memref<1x256xi32, #tpu.memory_space<vmem>>, vector<1x256xi32>
    %broadcast_in_dim3A = vector.shape_cast %get3A_3 : vector<1x256xi32> to vector<1x256xi32>
    %broadcast_in_dim3A_4 = vector.broadcast %broadcast_in_dim3A : vector<1x256xi32> to vector<64x256xi32>
    %iota3A = tpu.iota {dimensions = array<i32: 0>} : vector<64x256xi32>
    %eq3A_5 = arith.cmpi eq, %broadcast_in_dim3A_4, %iota3A : vector<64x256xi32>
    %convert_element_type3A_6 = arith.extui %eq3A_5 : vector<64x256xi1> to vector<64x256xi32>
    %convert_element_type3A_7 = arith.sitofp %convert_element_type3A_6 : vector<64x256xi32> to vector<64x256xf32>
    %get3A_8 = arith.constant 0 : index
    %get3A_9 = arith.constant 0 : index
    %get3A_10 = vector.load %arg4[%get3A_8, %get3A_9] : memref<256x128xf32, #tpu.memory_space<vmem>>, vector<256x128xf32>
    %get3A_11 = arith.constant 0 : index
    %get3A_12 = arith.constant 0 : index
    %get3A_13 = vector.load %arg5[%get3A_11, %get3A_12] : memref<256x128xf32, #tpu.memory_space<vmem>>, vector<256x128xf32>
    %get3A_14 = arith.constant 0 : index
    %get3A_15 = arith.constant 0 : index
    %get3A_16 = vector.load %arg6[%get3A_14, %get3A_15] : memref<256x128xf32, #tpu.memory_space<vmem>>, vector<256x8xf32>
    %concatenate3A = tpu.concatenate %get3A_10, %get3A_13, %get3A_16 in 1 : vector<256x128xf32>, vector<256x128xf32>, vector<256x8xf32> -> vector<256x264xf32>
    %bitcast_convert_type3A = tpu.bitcast %concatenate3A : vector<256x264xf32> -> vector<256x264xi32>
    %and3A = arith.constant 65535 : i32
    %and3A_17 = vector.broadcast %and3A : i32 to vector<256x264xi32>
    %and3A_18 = arith.andi %bitcast_convert_type3A, %and3A_17 : vector<256x264xi32>
    %convert_element_type3A_19 = arith.trunci %and3A_18 : vector<256x264xi32> to vector<256x264xi16>
    %bitcast_convert_type3A_20 = tpu.bitcast %convert_element_type3A_19 : vector<256x264xi16> -> vector<256x264xbf16>
    %shift_right_logical3A = arith.constant 16 : i32
    %shift_right_logical3A_21 = vector.broadcast %shift_right_logical3A : i32 to vector<256x264xi32>
    %shift_right_logical3A_22 = arith.shrui %bitcast_convert_type3A, %shift_right_logical3A_21 : vector<256x264xi32>
    %convert_element_type3A_23 = arith.trunci %shift_right_logical3A_22 : vector<256x264xi32> to vector<256x264xi16>
    %bitcast_convert_type3A_24 = tpu.bitcast %convert_element_type3A_23 : vector<256x264xi16> -> vector<256x264xbf16>
    %concatenate3A_25 = tpu.concatenate %bitcast_convert_type3A_20, %bitcast_convert_type3A_24 in 1 : vector<256x264xbf16>, vector<256x264xbf16> -> vector<256x528xbf16>
    %get3A_26 = arith.constant 0 : index
    %get3A_27 = arith.constant 8 : index
    %get3A_28 = vector.load %arg6[%get3A_26, %get3A_27] : memref<256x128xf32, #tpu.memory_space<vmem>>, vector<256x16xf32>
    %bitcast_convert_type3A_29 = tpu.bitcast %get3A_28 : vector<256x16xf32> -> vector<256x16xi32>
    %and3A_30 = arith.constant 65535 : i32
    %and3A_31 = vector.broadcast %and3A_30 : i32 to vector<256x16xi32>
    %and3A_32 = arith.andi %bitcast_convert_type3A_29, %and3A_31 : vector<256x16xi32>
    %convert_element_type3A_33 = arith.trunci %and3A_32 : vector<256x16xi32> to vector<256x16xi16>
    %bitcast_convert_type3A_34 = tpu.bitcast %convert_element_type3A_33 : vector<256x16xi16> -> vector<256x16xbf16>
    %shift_right_logical3A_35 = arith.constant 16 : i32
    %shift_right_logical3A_36 = vector.broadcast %shift_right_logical3A_35 : i32 to vector<256x16xi32>
    %shift_right_logical3A_37 = arith.shrui %bitcast_convert_type3A_29, %shift_right_logical3A_36 : vector<256x16xi32>
    %convert_element_type3A_38 = arith.trunci %shift_right_logical3A_37 : vector<256x16xi32> to vector<256x16xi16>
    %bitcast_convert_type3A_39 = tpu.bitcast %convert_element_type3A_38 : vector<256x16xi16> -> vector<256x16xbf16>
    %concatenate3A_40 = tpu.concatenate %bitcast_convert_type3A_34, %bitcast_convert_type3A_39 in 1 : vector<256x16xbf16>, vector<256x16xbf16> -> vector<256x32xbf16>
    %get3A_41 = arith.constant 0 : index
    %get3A_42 = arith.constant 0 : index
    %get3A_43 = vector.load %arg2[%get3A_41, %get3A_42] : memref<32x64xf32, #tpu.memory_space<vmem>>, vector<32x64xf32>
    %dot_general3A = arith.constant dense<0.000000e+00> : vector<32x256xf32>
    %dot_general3A_44 = tpu.matmul %get3A_43, %convert_element_type3A_7, %dot_general3A {dimension_numbers = #tpu.dot_dimension_numbers<[1], [0], [0], [1], [0, 0, 1, 1], [], []>, transpose_lhs_hint = false} : vector<32x64xf32>, vector<64x256xf32>, vector<32x256xf32> -> vector<32x256xf32>
    %swap3A = arith.constant 0 : index
    %swap3A_45 = arith.constant 0 : index
    %swap3A_46 = vector.load %arg8[%swap3A, %swap3A_45] : memref<64x256xf32, #tpu.memory_space<vmem>>, vector<32x256xf32>
    tpu.vector_store %arg8[%swap3A, %swap3A_45], %dot_general3A_44 {strides = array<i32>} : memref<64x256xf32, #tpu.memory_space<vmem>>, vector<32x256xf32>,
    %convert_element_type3A_47 = arith.extf %concatenate3A_40 : vector<256x32xbf16> to vector<256x32xf32>
    %transpose3A = tpu.transpose %convert_element_type3A_47, [1, 0] : vector<256x32xf32> -> vector<32x256xf32>
    %swap3A_48 = arith.constant 32 : index
    %swap3A_49 = arith.constant 0 : index
    %swap3A_50 = vector.load %arg8[%swap3A_48, %swap3A_49] : memref<64x256xf32, #tpu.memory_space<vmem>>, vector<32x256xf32>
    tpu.vector_store %arg8[%swap3A_48, %swap3A_49], %transpose3A {strides = array<i32>} : memref<64x256xf32, #tpu.memory_space<vmem>>, vector<32x256xf32>,
    %get3A_51 = arith.constant 0 : index
    %get3A_52 = arith.constant 0 : index
    %get3A_53 = vector.load %arg10[%get3A_51, %get3A_52] : memref<1024x64xf32, #tpu.memory_space<vmem>>, vector<1024x64xf32>
    %dot_general3A_54 = arith.constant dense<0.000000e+00> : vector<1024x256xf32>
    %dot_general3A_55 = tpu.matmul %get3A_53, %convert_element_type3A_7, %dot_general3A_54 {dimension_numbers = #tpu.dot_dimension_numbers<[1], [0], [0], [1], [0, 0, 1, 1], [], []>, transpose_lhs_hint = false} : vector<1024x64xf32>, vector<64x256xf32>, vector<1024x256xf32> -> vector<1024x256xf32>
    %get3A_56 = arith.constant 0 : index
    %get3A_57 = arith.constant 0 : index
    %get3A_58 = vector.load %arg7[%get3A_56, %get3A_57] : memref<528x1024xf32, #tpu.memory_space<vmem>>, vector<528x1024xf32>
    %convert_element_type3A_59 = arith.truncf %get3A_58 : vector<528x1024xf32> to vector<528x1024xbf16>
    %dot_general3A_60 = arith.constant dense<0.000000e+00> : vector<256x1024xf32>
    %dot_general3A_61 = tpu.matmul %concatenate3A_25, %convert_element_type3A_59, %dot_general3A_60 {dimension_numbers = #tpu.dot_dimension_numbers<[1], [0], [0], [1], [0, 0, 1, 1], [], []>, transpose_lhs_hint = false} : vector<256x528xbf16>, vector<528x1024xbf16>, vector<256x1024xf32> -> vector<256x1024xf32>
    %reshape3A = vector.shape_cast %dot_general3A_61 : vector<256x1024xf32> to vector<256x32x32xf32>
    %dot_general3A_62 = arith.constant dense<0.000000e+00> : vector<256x32x32xf32>
    %dot_general3A_63 = tpu.matmul %reshape3A, %reshape3A, %dot_general3A_62 {dimension_numbers = #tpu.dot_dimension_numbers<[2], [2], [1], [1], [0, 0, 0, 1, 1, 1], [0], [0]>, transpose_lhs_hint = false} : vector<256x32x32xf32>, vector<256x32x32xf32>, vector<256x32x32xf32> -> vector<256x32x32xf32>
    %reshape3A_64 = vector.shape_cast %dot_general3A_63 : vector<256x32x32xf32> to vector<256x1024xf32>
    %transpose3A_65 = tpu.transpose %reshape3A_64, [1, 0] : vector<256x1024xf32> -> vector<1024x256xf32>
    %broadcast_in_dim3A_66 = arith.constant 0.000000e+00 : f32
    %broadcast_in_dim3A_67 = vector.broadcast %broadcast_in_dim3A_66 : f32 to vector<32x32x256xf32>
    %reshape3A_68 = vector.shape_cast %dot_general3A_55 : vector<1024x256xf32> to vector<32x32x256xf32>
    %swap3A_69 = arith.constant 0 : index
    %swap3A_70 = arith.constant 0 : index
    %swap3A_71 = arith.constant 0 : index
    %swap3A_72 = vector.load %arg9[%swap3A_69, %swap3A_70, %swap3A_71] : memref<64x64x256xf32, #tpu.memory_space<vmem>>, vector<32x32x256xf32>
    tpu.vector_store %arg9[%swap3A_69, %swap3A_70, %swap3A_71], %reshape3A_68 {strides = array<i32>} : memref<64x64x256xf32, #tpu.memory_space<vmem>>, vector<32x32x256xf32>,
    %swap3A_73 = arith.constant 0 : index
    %swap3A_74 = arith.constant 32 : index
    %swap3A_75 = arith.constant 0 : index
    %swap3A_76 = vector.load %arg9[%swap3A_73, %swap3A_74, %swap3A_75] : memref<64x64x256xf32, #tpu.memory_space<vmem>>, vector<32x32x256xf32>
    tpu.vector_store %arg9[%swap3A_73, %swap3A_74, %swap3A_75], %broadcast_in_dim3A_67 {strides = array<i32>} : memref<64x64x256xf32, #tpu.memory_space<vmem>>, vector<32x32x256xf32>,
    %swap3A_77 = arith.constant 32 : index
    %swap3A_78 = arith.constant 0 : index
    %swap3A_79 = arith.constant 0 : index
    %swap3A_80 = vector.load %arg9[%swap3A_77, %swap3A_78, %swap3A_79] : memref<64x64x256xf32, #tpu.memory_space<vmem>>, vector<32x32x256xf32>
    tpu.vector_store %arg9[%swap3A_77, %swap3A_78, %swap3A_79], %broadcast_in_dim3A_67 {strides = array<i32>} : memref<64x64x256xf32, #tpu.memory_space<vmem>>, vector<32x32x256xf32>,
    %reshape3A_81 = vector.shape_cast %transpose3A_65 : vector<1024x256xf32> to vector<32x32x256xf32>
    %swap3A_82 = arith.constant 32 : index
    %swap3A_83 = arith.constant 32 : index
    %swap3A_84 = arith.constant 0 : index
    %swap3A_85 = vector.load %arg9[%swap3A_82, %swap3A_83, %swap3A_84] : memref<64x64x256xf32, #tpu.memory_space<vmem>>, vector<32x32x256xf32>
    tpu.vector_store %arg9[%swap3A_82, %swap3A_83, %swap3A_84], %reshape3A_81 {strides = array<i32>} : memref<64x64x256xf32, #tpu.memory_space<vmem>>, vector<32x32x256xf32>,
    return
  }
  func.func @transform_0(%arg0: i32) -> (i32, i32) {
    %c0_i32 = arith.constant 0 : i32
    %c0_i32_0 = arith.constant 0 : i32
    return %c0_i32, %arg0 : i32, i32
  }
  func.func @transform_1(%arg0: i32) -> (i32, i32) {
    %c0_i32 = arith.constant 0 : i32
    %c0_i32_0 = arith.constant 0 : i32
    %c0_i32_1 = arith.constant 0 : i32
    return %c0_i32, %c0_i32_0 : i32, i32
  }
  func.func @transform_2(%arg0: i32) -> (i32, i32) {
    %c0_i32 = arith.constant 0 : i32
    %c0_i32_0 = arith.constant 0 : i32
    %c0_i32_1 = arith.constant 0 : i32
    return %c0_i32, %c0_i32_0 : i32, i32
  }
  func.func @transform_3(%arg0: i32) -> (i32, i32) {
    %c0_i32 = arith.constant 0 : i32
    %c0_i32_0 = arith.constant 0 : i32
    return %arg0, %c0_i32 : i32, i32
  }
  func.func @transform_4(%arg0: i32) -> (i32, i32) {
    %c0_i32 = arith.constant 0 : i32
    %c0_i32_0 = arith.constant 0 : i32
    return %arg0, %c0_i32 : i32, i32
  }
  func.func @transform_5(%arg0: i32) -> (i32, i32) {
    %c0_i32 = arith.constant 0 : i32
    %c0_i32_0 = arith.constant 0 : i32
    return %arg0, %c0_i32 : i32, i32
  }
  func.func @transform_6(%arg0: i32) -> (i32, i32) {
    %c0_i32 = arith.constant 0 : i32
    %c0_i32_0 = arith.constant 0 : i32
    %c0_i32_1 = arith.constant 0 : i32
    return %c0_i32, %c0_i32_0 : i32, i32
  }
  func.func @transform_7(%arg0: i32) -> (i32, i32) {
    %c0_i32 = arith.constant 0 : i32
    %c0_i32_0 = arith.constant 0 : i32
    return %c0_i32, %arg0 : i32, i32
  }
  func.func @transform_8(%arg0: i32) -> (i32, i32, i32) {
    %c0_i32 = arith.constant 0 : i32
    %c0_i32_0 = arith.constant 0 : i32
    %c0_i32_1 = arith.constant 0 : i32
    return %c0_i32, %c0_i32_0, %arg0 : i32, i32, i32
  }
}

</mosaic_0001>

<sc_bundles>
// kernel: kernel.5.cloned.1.call-start
scs
__scs_entry_jumppad:
0x0: {  	(pc) =	sbr.rel $0x88, $3  }
0x1: {  	(tag) =	ssettag $0x0;
	lr =	simm.s32 $0x1  }
0x2: {  	[smem:$0x3F9B] =	sst lr;
	_ =	strace $0xD0000000  }
0x3: {  	_ = 	snop  }
0x4: {  	_ = 	snop  }
0x5: {  	_ = 	snop  }
0x6: {  	_ = 	snop  }
0x7: {  	_ = 	snop  }
__scs_overlays_trampoline_lowered:
0x8: {  	[smem:$0x3FAA] =	sst s0  }
0x9: {  	[smem:$0x3FAB] =	sst s1  }
0xa: {  	[smem:$0x3FAC] =	sst s2  }
0xb: {  	[smem:$0x3FAD] =	sst s3  }
0xc: {  	[smem:$0x3FAE] =	sst s4  }
0xd: {  	[smem:$0x3FAF] =	sst s5  }
0xe: {  	[smem:$0x3FB0] =	sst s6  }
0xf: {  	[smem:$0x3FB1] =	sst s7  }
0x10: {  	[smem:$0x3FB2] =	sst s8  }
0x11: {  	[smem:$0x3FB3] =	sst s9;
	s0 =	simm.s32 @!p0 $0x0  }
0x12: {  	s1 =	sld [smem:$0x3F99];
	s0 =	simm.s32 @p0 $0x1  }
0x13: {  	[smem:$0x3FB4] =	sst s0;
	s0 =	simm.s32 @!p1 $0x0  }
0x14: {  	s2 =	sld [smem:$0x3F98];
	s0 =	simm.s32 @p1 $0x1  }
0x15: {  	[smem:$0x3FB5] =	sst s0;
	s0 =	simm.s32 @!p2 $0x0  }
0x16: {  	s3 =	sld [smem:$0x3FDB];
	s0 =	simm.s32 @p2 $0x1  }
0x17: {  	s4 =	simm.s32 $0x1BF5;
	[smem:$0x3FB7] =	sst s0  }
0x18: {  	s0 =	sld [smem:$0x3F9A];
	_ =	swait.ge [sflag:s4], $0x0  }
0x19: {  	s7 =	sld [smem:$0x3F9B]  }
0x1a: {  	s8 =	sadd.s32 $0xFFFFE003, lr  }
0x1b: {  	s9 =	sadd.s32 $0xFFFFFEF7, lr;
	s5 =	simm.s32 $0xFFFFFFFF;
	p2 =	slt.u32 s8, $0xFFFFF086  }
0x1c: {  	p1 =	slt.u32 s9, $0xF7A;
	s5 =	simm.s32 @!p2 $0x0  }
0x1d: {  	s5 =	simm.s32 @p1 $0x1;
	p0 =	seq.s32 s7, s2  }
0x1e: {  	s7 =	smul.u32 @!p0 $0xF7A, s2;
	p2 =	seq.s32 @!p0 s5, $0x0  }
0x1f: {  	s9 =	smul.u32 $0xF7A, s1;
	s8 =	simm.s32 @!p0 $0x1BF5;
	p2 =	por !p2, p0  }
0x20: {  	[sflag:s8] =	ssyncset.s32 @!p0 $0xFFFFF086;
	s6 =	sadd.s32 @!p0 s3, s7;
	s7 =	simm.s32 @!p0 $0x108  }
0x21: {  	s3 =	sadd.s32 s3, s9;
	s6 =	sadd.s32 @!p0 $0x88, s6;
	s7 =	simm.s32 @p2 $0x1082  }
0x22: {  	[simem:s7], [sflag:s8] =	dma.local @!p0 [hbm:s6], $0xF7A  }
0x23: {  	s9 =	sor.u32 $0xD0000000, s2;
	s6 =	simm.s32 $0x108;
	_ =	swait.ge @!p0 [sflag:s8], $0x0  }
0x24: {  	s3 =	sadd.s32 $0x88, s3;
	s6 =	simm.s32 @!p1 $0x1082;
	[sflag:s4] =	ssyncset.s32 $0xFFFFF086  }
0x25: {  	[simem:s6], [sflag:s4] =	dma.local [hbm:s3], $0xF7A  }
0x26: {  	[smem:$0x3F9B] =	sst s1;
	(tag) =	ssettag s2;
	_ =	strace s9  }
0x27: {  	s1 =	sld [smem:$0x3FAB]  }
0x28: {  	s2 =	sld [smem:$0x3FAC]  }
0x29: {  	s4 =	sld [smem:$0x3FAE]  }
0x2a: {  	p0 =	seq.s32 s5, $0x0;
	s5 =	sld [smem:$0x3FAF]  }
0x2b: {  	s6 =	sld [smem:$0x3FB0]  }
0x2c: {  	s7 =	sld [smem:$0x3FB1]  }
0x2d: {  	s3 =	simm.s32 $0x108;
	s8 =	sld [smem:$0x3FB2]  }
0x2e: {  	s3 =	simm.s32 @!p0 $0x1082;
	s9 =	sld [smem:$0x3FB3]  }
0x2f: {  	lr =	sadd.s32 s0, s3;
	s0 =	sld [smem:$0x3FAA]  }
0x30: {  	s3 =	sld [smem:$0x3FAD]  }
0x31: {  	[smem:$0x3FB6] =	sst s10  }
0x32: {  	s10 =	sld [smem:$0x3FB4];
	_ =	sdelay $0x3  }
0x33: {  	p0 =	seq.s32 s10, $0x1;
	s10 =	sld [smem:$0x3FB6];
	_ =	sdelay $0x3  }
0x34: {  	[smem:$0x3FB6] =	sst s10  }
0x35: {  	s10 =	sld [smem:$0x3FB5];
	_ =	sdelay $0x3  }
0x36: {  	p1 =	seq.s32 s10, $0x1;
	s10 =	sld [smem:$0x3FB6];
	_ =	sdelay $0x3  }
0x37: {  	[smem:$0x3FB6] =	sst s10  }
0x38: {  	s10 =	sld [smem:$0x3FB7]  }
0x39: {  	_ = 	snop;
	(pc) =	sbr.ind lr, $3  }
0x3a: {  	_ = 	snop  }
0x3b: {  	_ = 	snop  }
0x3c: {  	p2 =	seq.s32 s10, $0x1;
	s10 =	sld [smem:$0x3FB6]  }
0x3d: {  	_ =	shalt  }
0x3e: {  	_ =	shalt  }
0x3f: {  	_ =	shalt  }
0x40: {  	_ =	shalt  }
0x41: {  	_ =	shalt  }
0x42: {  	_ =	shalt  }
0x43: {  	_ =	shalt  }
0x44: {  	_ =	shalt  }
0x45: {  	_ =	shalt  }
0x46: {  	_ =	shalt  }
0x47: {  	_ =	shalt  }
0x48: {  	_ =	shalt  }
0x49: {  	_ =	shalt  }
0x4a: {  	_ =	shalt  }
0x4b: {  	_ =	shalt  }
0x4c: {  	_ =	shalt  }
0x4d: {  	_ =	shalt  }
0x4e: {  	_ =	shalt  }
0x4f: {  	_ =	shalt  }
0x50: {  	_ =	shalt  }
0x51: {  	_ =	shalt  }
0x52: {  	_ =	shalt  }
0x53: {  	_ =	shalt  }
0x54: {  	_ =	shalt  }
0x55: {  	_ =	shalt  }
0x56: {  	_ =	shalt  }
0x57: {  	_ =	shalt  }
0x58: {  	_ =	shalt  }
0x59: {  	_ =	shalt  }
0x5a: {  	_ =	shalt  }
0x5b: {  	_ =	shalt  }
0x5c: {  	_ =	shalt  }
0x5d: {  	_ =	shalt  }
0x5e: {  	_ =	shalt  }
0x5f: {  	_ =	shalt  }
0x60: {  	_ =	shalt  }
0x61: {  	_ =	shalt  }
0x62: {  	_ =	shalt  }
0x63: {  	_ =	shalt  }
0x64: {  	_ =	shalt  }
0x65: {  	_ =	shalt  }
0x66: {  	_ =	shalt  }
0x67: {  	_ =	shalt  }
0x68: {  	_ =	shalt  }
0x69: {  	_ =	shalt  }
0x6a: {  	_ =	shalt  }
0x6b: {  	_ =	shalt  }
0x6c: {  	_ =	shalt  }
0x6d: {  	_ =	shalt  }
0x6e: {  	_ =	shalt  }
0x6f: {  	_ =	shalt  }
0x70: {  	_ =	shalt  }
0x71: {  	_ =	shalt  }
0x72: {  	_ =	shalt  }
0x73: {  	_ =	shalt  }
0x74: {  	_ =	shalt  }
0x75: {  	_ =	shalt  }
0x76: {  	_ =	shalt  }
0x77: {  	_ =	shalt  }
0x78: {  	_ =	shalt  }
0x79: {  	_ =	shalt  }
0x7a: {  	_ =	shalt  }
0x7b: {  	_ =	shalt  }
0x7c: {  	_ =	shalt  }
0x7d: {  	_ =	shalt  }
0x7e: {  	_ =	shalt  }
0x7f: {  	_ =	shalt  }
0x80: {  	_ =	shalt  }
0x81: {  	_ =	shalt  }
0x82: {  	_ =	shalt  }
0x83: {  	_ =	shalt  }
0x84: {  	_ =	shalt  }
0x85: {  	_ =	shalt  }
0x86: {  	_ =	shalt  }
0x87: {  	_ =	shalt  }
.Lfunc_end0:
.L_simem_size_0:
called_computation_lowered:
.L_overlay_start_0:
0x88: {  	s2 =	sld [smem:$0x3FD9]  }
0x89: {  	s3 =	sld [smem:$0x3FFE];
	_ =	sdelay $0x1  }
0x8a: {  	s1 =	srdreg.scid  }
0x8b: {  	s0 =	sand.u32 $0x1, s1  }
0x8c: {  	s14 =	sshll.u32 s0, $0xA;
	s2 =	sadd.s32 s3, s2  }
0x8d: {  	s2 =	sadd.s32 s2, s14  }
0x8e: {  	[smem:$0x3FC2] =	sst s2  }
0x8f: {  	_ = 	snop  }
0x90: {  	s2 =	sld [smem:$0x3FD0];
	_ =	sdelay $0x1  }
0x91: {  	s15 =	sld [smem:$0x3FC9]  }
0x92: {  	s5 =	simm.s32 $0xA;
	s6 =	simm.s32 $0x10;
	s4 =	sld [smem:$0x3FC8]  }
0x93: {  	[smem:s6], [sflag:s5] =	dma.local [hbm:s2], $0x1  }
0x94: {  	_ =	swait.eq [sflag:s5], $0x1  }
0x95: {  	[sflag:s5] =	ssyncset.done $0x0  }
0x96: {  	[sflag:s5] =	ssyncadd.s32 $0xFFFFFFFF  }
0x97: {  	s16 =	sld [smem:$0x11];
	(tm) =	ssettm $0x1  }
0x98: {  	s17 =	sld [smem:$0x3FFB];
	_ =	sdelay $0x3  }
0x99: {  	_ =	strace s17  }
0x9a: {  	s5 =	sld [smem:$0x3FFC];
	_ =	sdelay $0x3  }
0x9b: {  	_ =	strace s5  }
0x9c: {  	s5 =	sld [smem:$0x3FFD];
	_ =	sdelay $0x3  }
0x9d: {  	_ =	strace s5  }
0x9e: {  	_ =	strace $0x8FFFFFFF  }
0x9f: {  	s18 =	sld [smem:$0x3FDB];
	_ =	sdelay $0x1  }
0xa0: {  	s19 =	simm.s32 $_scs_section_size  }
0xa1: {  	s7 =	simm.s32 $_size__tile_overlayer_lowered;
	s8 =	simm.s32 $_tile_overlayer_lowered  }
0xa2: {  	s22 =	simm.s32 $0x1BFF;
	s21 =	sshll.u32 s8, $0x1;
	s5 =	sadd.s32 s19, s18  }
0xa3: {  	s9 =	simm.s32 $0x0;
	s20 =	sshll.u32 s7, $0x1;
	s7 =	sadd.s32 s21, s5  }
0xa4: {  	[timem:s9], [sflag:s22] =	dma.local [hbm:s7], s20  }
0xa5: {  	_ =	swait.ge [sflag:s22], s20  }
0xa6: {  	s6 =	ssub.s32 $0x0, s20;
	[sflag:s22] =	ssyncset.done $0x0  }
0xa7: {  	[sflag:s22] =	ssyncadd.s32 s6;
	_ =	sdelay $0x1  }
0xa8: {  	s23 =	simm.s32 $0x1B8B  }
0xa9: {  	_ =	swait.ge [sflag:s23], $0x1  }
0xaa: {  	[sflag:s23] =	ssyncset.done $0x0  }
0xab: {  	s25 =	simm.s32 $0x1B8E;
	s24 =	sld [smem:$0x3FFE];
	[sflag:s23] =	ssyncadd.s32 $0xFFFFFFFF  }
0xac: {  	s26 =	simm.s32 $execute0_lowered;
	[smem:$0x3FD2] =	sst s25  }
0xad: {  	s7 =	sshll.u32 s26, $0x1;
	_ =	strace $0x80000046;
	[dreg:$0x1] =	wrdreg $0xFFFFFFFF  }
0xae: {  	s28 =	simm.s32 $_size_execute0_lowered;
	s5 =	sadd.s32 s5, s7;
	[dreg:$0x0] =	wrdreg $0x0  }
0xaf: {  	s7 =	sshll.u32 s28, $0x1;
	[dreg:$0x2] =	wrdreg s5  }
0xb0: {  	[dreg:$0x3] =	wrdreg s7  }
0xb1: {  	[dreg:$0x4] =	wrdreg $0xC0  }
0xb2: {  	_ =	task [dreg:s9], $0x5FFFF  }
0xb3: {  	[dreg:$0x1] =	wrdreg $0xFFFFFFFF  }
0xb4: {  	[dreg:$0x0] =	wrdreg $0x60  }
0xb5: {  	[dreg:$0x2] =	wrdreg s15  }
0xb6: {  	[dreg:$0x3] =	wrdreg s4  }
0xb7: {  	[dreg:$0x4] =	wrdreg s16  }
0xb8: {  	[dreg:$0x5] =	wrdreg s24  }
0xb9: {  	[dreg:$0x6] =	wrdreg $0x9  }
0xba: {  	_ =	task.clear_ibuf [dreg:s9], $0x7FFFF;
	_ =	strace $0x90000046  }
0xbb: {  	s29 =	simm.s32 $0x9;
	_ =	strace $0x80000048  }
0xbc: {  	_ =	swait.ge [sflag:s29], $0x1  }
0xbd: {  	[sflag:s29] =	ssyncadd.s32 $0xFFFFFFFF  }
0xbe: {  	_ =	strace $0x90000048  }
0xbf: {  	_ =	sfence  }
0xc0: {  	s30 =	sld [smem:$0x0];
	_ =	sdelay $0x2  }
0xc1: {  	s31 =	sshll.u32 s1, $0xD;
	s1 =	sshrl.u32 s1, $0x2  }
0xc2: {  	s3 =	sand.u32 $0x4000, s31;
	s1 =	sadd.s32 s1, s30  }
0xc3: {  	s0 =	sor.u32 s3, s0;
	s1 =	sshll.u32 s1, $0x11  }
0xc4: {  	s0 =	sor.u32 s1, s0  }
0xc5: {  	s0 =	sadd.s32 $0x8F2B, s0  }
0xc6: {  	[sflag:s0] =	ssyncadd.remote.s32 $0x1  }
0xc7: {  	_ =	sfence.sel $0xFFFF  }
0xc8: {  	[dreg:$0x0] =	wrdreg $0xFFFFFFFF;
	(pc) =	sbr.abs _section_cstart, $3  }
0xc9: {  	[dreg:$0x1] =	wrdreg $0xFFFFFFFF  }
0xca: {  	_ =	task.clear_ibuf [dreg:s9], $0x2FFFF;
	_ =	strace $0x9FFFFFFF  }
0xcb: {  	(tm) =	ssettm $0x7FFFFFFF  }
tec
execute0_lowered:
.L_overlay_start_1:
0x0: {  	(tag) =	ssettag $0x1  }
0x1: {  	s3 =	rddreg [dreg:$0x0]  }
0x2: {  	s6 =	rddreg [dreg:$0x1];
	s1 =	srdreg.scid  }
0x3: {  	s4 =	rddreg [dreg:$0x2];
	s0 =	stileid.u32;
	s15 =	sand.u32 $0x1, s1  }
0x4: {  	s16 =	rddreg [dreg:$0x3];
	s5 =	sshll.u32 s0, $0x8;
	s7 =	sshll.u32 s15, $0x7  }
0x5: {  	s2 =	simm.s32 $0x0;
	s1 =	rddreg [dreg:$0x4];
	s17 =	sor.u32 s7, s5  }
0x6: {  	[smem:$0x7FF] =	sst s2;
	s7 =	sshrl.u32 s17, $0x3  }
0x7: {  	_ =	strace $0x80000047;
	s5 =	sadd.s32 s3, s7;
	s3 =	simm.s32 $0x4  }
0x8: {  	[tilespmem:s2], [sflag:$0x4] =	stream.linear.gather [hbm4b:s5+s2], $0x80, $0x38;
	[tilespmem:$0xC180] =	vst v63  }
0x9: {  	_ =	swait.ge [sflag:s3], $0x80  }
0xa: {  	[sflag:s3] =	ssyncset.done $0x0  }
0xb: {  	s6 =	sadd.s32 s6, s7;
	s7 =	simm.s32 $0x80;
	[sflag:s3] =	ssyncadd.s32 $0xFFFFFF80  }
0xc: {  	[tilespmem:s7], [sflag:$0x4] =	stream.linear.gather [hbm4b:s6+s2], $0x80, $0x38;
	[tilespmem:$0xC180] =	vst v63  }
0xd: {  	_ =	swait.ge [sflag:s3], $0x80  }
0xe: {  	[sflag:s3] =	ssyncset.done $0x0  }
0xf: {  	[sflag:s3] =	ssyncadd.s32 $0xFFFFFF80  }
0x10: {  	v0 =	vld [tilespmem:$0x60]  }
0x11: {  	v1 =	vld [tilespmem:$0x40]  }
0x12: {  	v2 =	vld [tilespmem:$0x30]  }
0x13: {  	v3 =	vld [tilespmem:$0x20]  }
0x14: {  	v4 =	vld [tilespmem:$0xC0]  }
0x15: {  	v5 =	vld [tilespmem:$0x10]  }
0x16: {  	v6 =	vld [tilespmem:$0xB0]  }
0x17: {  	v7 =	vld [tilespmem:$0x70]  }
0x18: {  	v8 =	vld [tilespmem:$0xA0]  }
0x19: {  	v9 =	vld [tilespmem:$0xF0]  }
0x1a: {  	v10 =	vld [tilespmem:$0x90]  }
0x1b: {  	v11 =	vld [tilespmem:$0xE0];
	v4 =	vmul.u32 $0x3E8, v4  }
0x1c: {  	v12 =	vld [tilespmem:$0xD0];
	v6 =	vmul.u32 $0x3E8, v6  }
0x1d: {  	v55 =	vld [tilespmem:$0x80];
	v8 =	vmul.u32 $0x3E8, v8;
	v1 =	vadd.s32 v1, v4  }
0x1e: {  	v57 =	vld [tilespmem:$0x50];
	v58 =	vmul.u32 $0x3E8, v9;
	v56 =	vadd.s32 v2, v6;
	[tilespmem:$0x140] =	vst v1  }
0x1f: {  	v59 =	vld [tilespmem:$0x0];
	v60 =	vmul.u32 $0x3E8, v10;
	v3 =	vadd.s32 v3, v8;
	[tilespmem:$0x130] =	vst v56  }
0x20: {  	v61 =	vmul.u32 $0x3E8, v11;
	v6 =	vadd.s32 v7, v58;
	[tilespmem:$0x120] =	vst v3  }
0x21: {  	v62 =	vmul.u32 $0x3E8, v12;
	v5 =	vadd.s32 v5, v60;
	[tilespmem:$0x170] =	vst v6  }
0x22: {  	v4 =	vmul.u32 $0x3E8, v55;
	v0 =	vadd.s32 v0, v61;
	[tilespmem:$0x110] =	vst v5  }
0x23: {  	v2 =	vadd.s32 v57, v62;
	[tilespmem:$0x160] =	vst v0  }
0x24: {  	s11 =	simm.s32 $0x100;
	[tilespmem:$0x150] =	vst v2;
	v63 =	vadd.s32 v59, v4  }
0x25: {  	s9 =	simm.s32 $0x180;
	s10 =	simm.s32 $0x4180;
	s15 =	ssub.s32 $0x2, s15;
	[tilespmem:$0x100] =	vst v63  }
0x26: {  	[tilespmem:s9], [sflag:$0x1] =	stream.indirect.gather [hbm4b:s4+s7], $0x80, s11, s7, $0xb8;
	[tilespmem:$0xC180] =	vst v63  }
0x27: {  	s8 =	simm.s32 $0x8180;
	s12 =	sadd.s32 $0x1C00, s16;
	s31 =	sshrl.u32 s15, $0x1  }
0x28: {  	[tilespmem:s10], [sflag:$0x2] =	stream.indirect.gather [hbm4b:s12+s7], $0x80, s11, s7, $0xb8;
	[tilespmem:$0xC180] =	vst v63  }
0x29: {  	s14 =	simm.s32 $0x1;
	s13 =	sadd.s32 $0xFBC00, s16;
	s19 =	ssub.s32 s15, s31  }
0x2a: {  	[tilespmem:s8], [sflag:$0x3] =	stream.indirect.gather [hbm4b:s13+s7], $0x80, s11, s7, $0xb8;
	[tilespmem:$0xC180] =	vst v63  }
0x2b: {  	s20 =	smax.u32 s19, $0x1;
	_ =	swait.ge [sflag:s14], $0x4000  }
0x2c: {  	s18 =	simm.s32 $0x2;
	p0 =	sne.s32 s20, $0x1;
	[sflag:s14] =	ssyncset.done $0x0  }
.Ltmp0:
0x2d: {  	s17 =	sshll.u32 s17, $0x4;
	[sflag:s14] =	ssyncadd.s32 $0xFFFFC000;
	(pc) =	sbr.rel @!p0 .LBB2_2-.Ltmp0, $4  }
0x2e: {  	s17 =	sadd.s32 s17, s16;
	_ =	swait.ge [sflag:s18], $0x4000  }
0x2f: {  	s16 =	sadd.s32 $0x1F5C00, s17;
	[sflag:s18] =	ssyncset.done $0x0  }
0x30: {  	s19 =	simm.s32 $0x3;
	s15 =	sadd.s32 $0x205C00, s17;
	[sflag:s18] =	ssyncadd.s32 $0xFFFFC000  }
0x31: {  	s17 =	sadd.s32 $0x215C00, s17;
	s20 =	sadd.s32 $0xFFFFFFFF, s20;
	_ =	swait.ge [sflag:s19], $0x4000  }
.LBB2_1:
0x32: {  	p0 =	sne.s32 s20, $0x1;
	s20 =	sadd.s32 $0xFFFFFFFF, s20;
	[sflag:s19] =	ssyncset.done $0x0  }
0x33: {  	[sflag:s19] =	ssyncadd.s32 $0xFFFFC000  }
0x34: {  	[hbm4b:s16+s2] =	stream.linear.scatter [tilespmem:s9], [sflag:$0x4], $0x4000, $0x38;
	[tilespmem:$0xC180] =	vst v63  }
0x35: {  	_ =	swait.ge [sflag:s3], $0x4000  }
0x36: {  	[sflag:s3] =	ssyncset.done $0x0  }
0x37: {  	[sflag:s3] =	ssyncadd.s32 $0xFFFFC000  }
0x38: {  	[hbm4b:s15+s2] =	stream.linear.scatter [tilespmem:s10], [sflag:$0x4], $0x4000, $0x38;
	[tilespmem:$0xC180] =	vst v63  }
0x39: {  	_ =	swait.ge [sflag:s3], $0x4000  }
0x3a: {  	[sflag:s3] =	ssyncset.done $0x0  }
0x3b: {  	[sflag:s3] =	ssyncadd.s32 $0xFFFFC000  }
0x3c: {  	[hbm4b:s17+s2] =	stream.linear.scatter [tilespmem:s8], [sflag:$0x4], $0x4000, $0x38;
	[tilespmem:$0xC180] =	vst v63  }
0x3d: {  	_ =	swait.ge [sflag:s3], $0x4000  }
0x3e: {  	[sflag:s3] =	ssyncset.done $0x0  }
0x3f: {  	[sflag:s3] =	ssyncadd.s32 $0xFFFFC000  }
0x40: {  	[tilespmem:s2], [sflag:$0x4] =	stream.linear.gather [hbm4b:s5+s2], $0x80, $0x38;
	[tilespmem:$0xC180] =	vst v63  }
0x41: {  	_ =	swait.ge [sflag:s3], $0x80  }
0x42: {  	[sflag:s3] =	ssyncset.done $0x0  }
0x43: {  	[sflag:s3] =	ssyncadd.s32 $0xFFFFFF80  }
0x44: {  	[tilespmem:s7], [sflag:$0x4] =	stream.linear.gather [hbm4b:s6+s2], $0x80, $0x38;
	[tilespmem:$0xC180] =	vst v63  }
0x45: {  	_ =	swait.ge [sflag:s3], $0x80  }
0x46: {  	[sflag:s3] =	ssyncset.done $0x0  }
0x47: {  	[sflag:s3] =	ssyncadd.s32 $0xFFFFFF80  }
0x48: {  	v0 =	vld [tilespmem:$0x60]  }
0x49: {  	v1 =	vld [tilespmem:$0x40]  }
0x4a: {  	v2 =	vld [tilespmem:$0x30]  }
0x4b: {  	v3 =	vld [tilespmem:$0x20]  }
0x4c: {  	v4 =	vld [tilespmem:$0xC0]  }
0x4d: {  	v5 =	vld [tilespmem:$0x10]  }
0x4e: {  	v6 =	vld [tilespmem:$0xB0]  }
0x4f: {  	v7 =	vld [tilespmem:$0x70]  }
0x50: {  	v8 =	vld [tilespmem:$0xA0]  }
0x51: {  	v4 =	vmul.u32 $0x3E8, v4;
	v9 =	vld [tilespmem:$0xF0]  }
0x52: {  	v10 =	vld [tilespmem:$0x90]  }
0x53: {  	v6 =	vmul.u32 $0x3E8, v6;
	v1 =	vadd.s32 v1, v4;
	v4 =	vld [tilespmem:$0xE0]  }
0x54: {  	[tilespmem:$0x140] =	vst v1;
	v1 =	vld [tilespmem:$0xD0]  }
0x55: {  	v11 =	vld [tilespmem:$0x80];
	v8 =	vmul.u32 $0x3E8, v8;
	v2 =	vadd.s32 v2, v6  }
0x56: {  	[tilespmem:$0x130] =	vst v2;
	v2 =	vld [tilespmem:$0x50];
	v6 =	vmul.u32 $0x3E8, v9  }
0x57: {  	v9 =	vld [tilespmem:$0x0];
	v10 =	vmul.u32 $0x3E8, v10;
	v3 =	vadd.s32 v3, v8  }
0x58: {  	[tilespmem:$0x120] =	vst v3;
	v3 =	vmul.u32 $0x3E8, v4;
	v4 =	vadd.s32 v7, v6  }
0x59: {  	v5 =	vadd.s32 v5, v10;
	v1 =	vmul.u32 $0x3E8, v1;
	[tilespmem:$0x170] =	vst v4  }
0x5a: {  	v4 =	vmul.u32 $0x3E8, v11;
	[tilespmem:$0x110] =	vst v5;
	v0 =	vadd.s32 v0, v3  }
0x5b: {  	v1 =	vadd.s32 v2, v1;
	[tilespmem:$0x160] =	vst v0  }
0x5c: {  	v0 =	vadd.s32 v9, v4;
	[tilespmem:$0x150] =	vst v1  }
0x5d: {  	[tilespmem:$0x100] =	vst v0  }
0x5e: {  	[tilespmem:s9], [sflag:$0x1] =	stream.indirect.gather [hbm4b:s4+s7], $0x80, s11, s7, $0xb8;
	[tilespmem:$0xC180] =	vst v63  }
0x5f: {  	_ = 	snop  }
0x60: {  	[tilespmem:s10], [sflag:$0x2] =	stream.indirect.gather [hbm4b:s12+s7], $0x80, s11, s7, $0xb8;
	[tilespmem:$0xC180] =	vst v63  }
0x61: {  	_ = 	snop  }
0x62: {  	[tilespmem:s8], [sflag:$0x3] =	stream.indirect.gather [hbm4b:s13+s7], $0x80, s11, s7, $0xb8;
	[tilespmem:$0xC180] =	vst v63  }
0x63: {  	_ =	swait.ge [sflag:s14], $0x4000  }
0x64: {  	[sflag:s14] =	ssyncset.done $0x0  }
.Ltmp1:
0x65: {  	[sflag:s14] =	ssyncadd.s32 $0xFFFFC000;
	(pc) =	sbr.rel @p0 .LBB2_1-.Ltmp1, $4  }
0x66: {  	_ =	swait.ge [sflag:s18], $0x4000  }
0x67: {  	[sflag:s18] =	ssyncset.done $0x0  }
0x68: {  	[sflag:s18] =	ssyncadd.s32 $0xFFFFC000  }
0x69: {  	_ =	swait.ge [sflag:s19], $0x4000  }
.LBB2_2:
0x6a: {  	[sflag:s19] =	ssyncset.done $0x0  }
0x6b: {  	[sflag:s19] =	ssyncadd.s32 $0xFFFFC000  }
0x6c: {  	[hbm4b:s16+s2] =	stream.linear.scatter [tilespmem:s9], [sflag:$0x4], $0x4000, $0x38;
	[tilespmem:$0xC180] =	vst v63  }
0x6d: {  	_ =	swait.ge [sflag:s3], $0x4000  }
0x6e: {  	[sflag:s3] =	ssyncset.done $0x0  }
0x6f: {  	[sflag:s3] =	ssyncadd.s32 $0xFFFFC000  }
0x70: {  	[hbm4b:s15+s2] =	stream.linear.scatter [tilespmem:s10], [sflag:$0x4], $0x4000, $0x38;
	[tilespmem:$0xC180] =	vst v63  }
0x71: {  	_ =	swait.ge [sflag:s3], $0x4000  }
0x72: {  	[sflag:s3] =	ssyncset.done $0x0  }
0x73: {  	[sflag:s3] =	ssyncadd.s32 $0xFFFFC000  }
0x74: {  	[hbm4b:s17+s2] =	stream.linear.scatter [tilespmem:s8], [sflag:$0x4], $0x4000, $0x38;
	[tilespmem:$0xC180] =	vst v63  }
0x75: {  	_ =	swait.ge [sflag:s3], $0x4000  }
0x76: {  	[sflag:s3] =	ssyncset.done $0x0  }
0x77: {  	[sflag:s3] =	ssyncadd.s32 $0xFFFFC000  }
0x78: {  	_ =	sfence.sel $0x180000  }
0x79: {  	[bflag:$0x0] =	sbarrier.arrive $0xFFFF  }
0x7a: {  	p0 =	sne.s32 s0, $0x0;
	_ =	strace $0x90000047  }
0x7b: {  	s0 =	sadd.s32 @!p0 $0x100000, s1;
	[bflag:$0x2] =	sbarrier.arrive $0xFFFF  }
0x7c: {  	[sflag:s0] =	ssyncadd.tile.s32 @!p0 $0x1;
	_ =	shalt  }
.Lfunc_end2:
_tile_overlayer_lowered:
.L_overlay_start_2:
0x7d: {  	(tag) =	ssettag $0x2  }
0x7e: {  	s0 =	rddreg [dreg:$0x0];
	s2 =	stileid.u32  }
0x7f: {  	s1 =	rddreg [dreg:$0x1];
	p0 =	sne.s32 s2, $0x0  }
0x80: {  	s3 =	rddreg [dreg:$0x2];
	[bflag:$0x3] =	sbarrier.arrive $0xFFFF;
	s2 =	simm.s32 @!p0 $0x1C04  }
0x81: {  	[timem:s3], [sflag:s2] =	dma.local @!p0 [hbm:s0], s1  }
0x82: {  	s0 =	simm.s32 @!p0 $0x4  }
0x83: {  	_ =	swait.ge @!p0 [sflag:s0], s1  }
0x84: {  	s1 =	ssub.s32 @!p0 $0x0, s1;
	[sflag:s0] =	ssyncset.done @!p0 $0x0  }
0x85: {  	[sflag:s0] =	ssyncadd.s32 @!p0 s1  }
0x86: {  	[bflag:$0x3] =	sbarrier.arrive $0xFFFF  }
0x87: {  	_ =	shalt  }

</sc_bundles>
